<compile_context>
chip_gen: v7x
topology: tpu7x:2x2x1
jax: 0.10.2.dev20260603
libtpu: 0.0.44.dev20260713+nightly
codegen_flags: <defaults>
</compile_context>

<pallas_src>
import jax
import jax.numpy as jnp
from jax import lax
from jax.experimental import pallas as pl
from jax.experimental.pallas import tpu as pltpu
from jax.experimental.pallas import tpu_sc as plsc

B, N, H, K = 4, 2048, 768, 256
NB = 1024


def _v_body(ao_ref, oo_ref, w2a_ref, w2o_ref, va_ref, vo_ref):
    def mm(x_ref, w_ref, o_ref):
        o_ref[0] = lax.dot_general(
            x_ref[0], w_ref[...], (((1,), (0,)), ((), ())),
            preferred_element_type=jnp.float32)
    mm(ao_ref, w2a_ref, va_ref)
    mm(oo_ref, w2o_ref, vo_ref)


def _tc_v(ao, oo, w2a, w2o):
    hspec = pl.BlockSpec((1, NB, H), lambda b, i: (b, i, 0))
    wspec = pl.BlockSpec((H, 3), lambda b, i: (0, 0))
    ospec = pl.BlockSpec((1, NB, 3), lambda b, i: (b, i, 0))
    return pl.pallas_call(
        _v_body,
        grid=(B, N // NB),
        in_specs=[hspec] * 2 + [wspec] * 2,
        out_specs=[ospec] * 2,
        out_shape=[jax.ShapeDtypeStruct((B, N, 3), jnp.float32)] * 2,
    )(ao, oo, w2a, w2o)


def _argmax_body(ha_ref, ho_ref, usrc_ref, w1_ref, b1_ref,
                 aspc_ref, opir_ref, js_ref, u_ref):
    i = pl.program_id(0)
    ha = ha_ref[0]
    ho = ho_ref[0]
    s = lax.dot_general(ha, ho, (((1,), (1,)), ((), ())),
                        preferred_element_type=jnp.float32) / 100.0
    aspc = aspc_ref[0]
    opir = opir_ref[0]
    aspb = jnp.broadcast_to(aspc, (K, K))
    opib = jnp.broadcast_to(opir, (K, K))
    neg = jnp.float32(-3.0e38)
    val = jnp.where(aspb != opib, s, neg)
    m = jnp.max(val, axis=1, keepdims=True)
    cand = jnp.where(val == m, opib, jnp.float32(1e9))
    jmin = jnp.min(cand, axis=1, keepdims=True)
    jstar = jnp.where(m > jnp.float32(-1.0e38), jmin, jnp.float32(0.0))
    js_ref[0] = lax.convert_element_type(jstar, jnp.int32)
    u_in = jnp.where((i % 2) == 1, usrc_ref[0], ha)
    u_ref[0] = lax.dot_general(
        u_in, w1_ref[0], (((1,), (0,)), ((), ())),
        preferred_element_type=jnp.float32) + b1_ref[0]


def _tc_argmax(g_rows, usrc, w1s, b1s, aspc, opir):
    return pl.pallas_call(
        _argmax_body,
        grid=(2 * B,),
        in_specs=[
            pl.BlockSpec((1, K, H), lambda i: (2 * i, 0, 0)),
            pl.BlockSpec((1, K, H), lambda i: (2 * i + 1, 0, 0)),
            pl.BlockSpec((1, K, H), lambda i: (i // 2, 0, 0)),
            pl.BlockSpec((1, H, 3), lambda i: (i % 2, 0, 0)),
            pl.BlockSpec((1, 1, 3), lambda i: (i % 2, 0, 0)),
            pl.BlockSpec((1, K, 1), lambda i: (i, 0, 0)),
            pl.BlockSpec((1, 1, K), lambda i: (i, 0, 0)),
        ],
        out_specs=[
            pl.BlockSpec((1, K, 1), lambda i: (i, 0, 0)),
            pl.BlockSpec((1, K, 3), lambda i: (i, 0, 0)),
        ],
        out_shape=[
            jax.ShapeDtypeStruct((2 * B, K, 1), jnp.int32),
            jax.ShapeDtypeStruct((2 * B, K, 3), jnp.float32),
        ],
    )(g_rows, g_rows, usrc, w1s, b1s, aspc, opir)


def _gather_body(ta_hbm, to_hbm, toa_hbm, idxa_hbm, idxo_hbm, iao_hbm,
                 out_hbm, usrc_hbm, idx_v, idx2_v, idx3_v,
                 rows_v, rows2_v, rows3_v, sem1, sem2, sem3):
    cid = lax.axis_index("c")
    sid = lax.axis_index("s")
    wid = sid * 2 + cid
    b = wid // 8
    s8 = wid % 8
    srcbase = b * (2 * K) + s8 * 64
    off = b * N

    pltpu.sync_copy(idxa_hbm.at[pl.ds(srcbase, 64)], idx_v)
    pltpu.sync_copy(idxo_hbm.at[pl.ds(srcbase, 64)], idx2_v)
    pltpu.sync_copy(iao_hbm.at[b, pl.ds(s8 * 32, 32)], idx3_v)
    for i in range(4):
        idx_v[pl.ds(i * 16, 16)] = idx_v[pl.ds(i * 16, 16)] + off
        idx2_v[pl.ds(i * 16, 16)] = idx2_v[pl.ds(i * 16, 16)] + off
    for i in range(2):
        idx3_v[pl.ds(i * 16, 16)] = idx3_v[pl.ds(i * 16, 16)] + off
    c1 = pltpu.async_copy(ta_hbm.at[idx_v], rows_v, sem1)
    c2 = pltpu.async_copy(to_hbm.at[idx2_v], rows2_v, sem2)
    c3 = pltpu.async_copy(toa_hbm.at[idx3_v], rows3_v, sem3)
    c1.wait()
    pltpu.sync_copy(rows_v, out_hbm.at[pl.ds(b * (4 * K) + s8 * 64, 64)])
    c2.wait()
    pltpu.sync_copy(rows2_v,
                    out_hbm.at[pl.ds(b * (4 * K) + 2 * K + s8 * 64, 64)])
    c3.wait()
    pltpu.sync_copy(rows3_v, usrc_hbm.at[pl.ds(b * K + s8 * 32, 32)])


def _sc_gather(ta_flat, to_flat, toa_flat, idx_a, idx_o, iao):
    mesh = plsc.VectorSubcoreMesh(core_axis_name="c", subcore_axis_name="s")
    fn = pl.kernel(
        _gather_body,
        out_type=[jax.ShapeDtypeStruct((4 * B * K, H), jnp.float32),
                  jax.ShapeDtypeStruct((B * K, H), jnp.float32)],
        mesh=mesh,
        scratch_types=[
            pltpu.VMEM((64,), jnp.int32),
            pltpu.VMEM((64,), jnp.int32),
            pltpu.VMEM((32,), jnp.int32),
            pltpu.VMEM((64, H), jnp.float32),
            pltpu.VMEM((64, H), jnp.float32),
            pltpu.VMEM((32, H), jnp.float32),
            pltpu.SemaphoreType.DMA,
            pltpu.SemaphoreType.DMA,
            pltpu.SemaphoreType.DMA,
        ],
    )
    return fn(ta_flat, to_flat, toa_flat, idx_a, idx_o, iao)


def _combine_body(us, va, vo, js, iaa, iao, zz, out_rm, out_t,
                  ua_v, va_v, uo_v, vo_v, fa_v, fo_v, frm_v,
                  ia_v, ja_v, io_v, jo_v):
    cid = lax.axis_index("c")
    sid = lax.axis_index("s")
    wid = sid * 2 + cid
    lane = jnp.arange(16, dtype=jnp.int32)

    @pl.when(wid < B)
    def _():
        b = wid
        pltpu.sync_copy(zz, fa_v)
        pltpu.sync_copy(zz, fo_v)
        pltpu.sync_copy(us.at[2 * b], ua_v)
        pltpu.sync_copy(va.at[b], va_v)
        pltpu.sync_copy(us.at[2 * b + 1], uo_v)
        pltpu.sync_copy(vo.at[b], vo_v)
        pltpu.sync_copy(iaa.at[b], ia_v)
        pltpu.sync_copy(js.at[2 * b], ja_v)
        pltpu.sync_copy(iao.at[b], io_v)
        pltpu.sync_copy(js.at[2 * b + 1], jo_v)

        def mk(i_ref, j_ref, u_ref, v_ref, f_ref):
            def cb(t, _):
                ii = i_ref[pl.ds(t * 16, 16)]
                jj = j_ref[pl.ds(t * 16, 16)]
                pv = lane + t * 16
                for c in range(3):
                    u = plsc.load_gather(u_ref, [pv * 3 + c])
                    v = plsc.load_gather(v_ref, [jj * 3 + c])
                    plsc.store_scatter(f_ref, [ii + c * N], u + v)
                return 0
            lax.fori_loop(0, K // 16, cb, 0)

        mk(ia_v, ja_v, ua_v, va_v, fa_v)
        mk(io_v, jo_v, uo_v, vo_v, fo_v)

        def ab(i, _):
            sl = pl.ds(i * 16, 16)
            v = (fa_v[sl] + fo_v[sl]) * 0.5
            fa_v[sl] = v
            base = lane + i * 16
            c = base // N
            row = base - c * N
            plsc.store_scatter(frm_v, [row * 3 + c], v)
            return 0
        lax.fori_loop(0, (3 * N) // 16, ab, 0)
        pltpu.sync_copy(frm_v, out_rm.at[b])
        pltpu.sync_copy(fa_v, out_t.at[b])


def _sc_combine(us, va, vo, js, iaa, iao, zz):
    mesh = plsc.VectorSubcoreMesh(core_axis_name="c", subcore_axis_name="s")
    fn = pl.kernel(
        _combine_body,
        out_type=[jax.ShapeDtypeStruct((B, 3 * N), jnp.float32),
                  jax.ShapeDtypeStruct((B, 3 * N), jnp.float32)],
        mesh=mesh,
        compiler_params=pltpu.CompilerParams(needs_layout_passes=False),
        scratch_types=[
            pltpu.VMEM((3 * K,), jnp.float32),
            pltpu.VMEM((3 * N,), jnp.float32),
            pltpu.VMEM((3 * K,), jnp.float32),
            pltpu.VMEM((3 * N,), jnp.float32),
            pltpu.VMEM((3 * N,), jnp.float32),
            pltpu.VMEM((3 * N,), jnp.float32),
            pltpu.VMEM((3 * N,), jnp.float32),
            pltpu.VMEM((K,), jnp.int32),
            pltpu.VMEM((K,), jnp.int32),
            pltpu.VMEM((K,), jnp.int32),
            pltpu.VMEM((K,), jnp.int32),
        ],
    )
    return fn(us, va, vo, js, iaa, iao, zz)


def _loss_body(fl_ref, lab_ref, pred_ref, loss_ref):
    b = pl.program_id(0)
    f = fl_ref[0]
    lab = lab_ref[0]
    f0, f1, f2 = f[0:1, :], f[1:2, :], f[2:3, :]
    absum = jnp.abs(f0) + jnp.abs(f1) + jnp.abs(f2)
    valid = (absum > 0).astype(jnp.float32)
    mx = jnp.maximum(jnp.maximum(f0, f1), f2)
    se = jnp.exp(f0 - mx) + jnp.exp(f1 - mx) + jnp.exp(f2 - mx)
    lse = jnp.log(se) + mx
    flab = jnp.where(lab == 0, f0, jnp.where(lab == 1, f1, f2))
    nll = lse - flab
    wl = jnp.where(lab == 0, jnp.float32(1.0),
                   jnp.where(lab == 1, jnp.float32(2.0), jnp.float32(4.0)))
    wl = wl * valid
    num = jnp.sum(nll * wl, axis=(0, 1), keepdims=True)
    den = jnp.maximum(jnp.sum(wl, axis=(0, 1), keepdims=True),
                      jnp.float32(1e-6))
    lossb = num / den
    idx = jnp.zeros_like(lab)
    best = f0
    idx = jnp.where(f1 > best, 1, idx)
    best = jnp.maximum(best, f1)
    idx = jnp.where(f2 > best, 2, idx)
    pred_ref[0] = jnp.where(valid > 0, idx, -1)

    @pl.when(b == 0)
    def _():
        loss_ref[...] = lossb

    @pl.when(b > 0)
    def _():
        loss_ref[...] = loss_ref[...] + lossb


def _tc_loss(fl_t, lab3):
    return pl.pallas_call(
        _loss_body,
        grid=(B,),
        in_specs=[
            pl.BlockSpec((1, 3, N), lambda b: (b, 0, 0)),
            pl.BlockSpec((1, 1, N), lambda b: (b, 0, 0)),
        ],
        out_specs=[
            pl.BlockSpec((1, 1, N), lambda b: (b, 0, 0)),
            pl.BlockSpec((1, 1), lambda b: (0, 0)),
        ],
        out_shape=[
            jax.ShapeDtypeStruct((B, 1, N), jnp.int32),
            jax.ShapeDtypeStruct((1, 1), jnp.float32),
        ],
    )(fl_t, lab3)


def kernel(A2O_aspect_hidden_states, A2O_opinion_hidden_states,
           O2A_aspect_hidden_states, O2A_opinion_hidden_states,
           W_A2O, b_A2O, W_O2A, b_O2A,
           asp_idx_a2o, opi_idx_a2o, asp_idx_o2a, opi_idx_o2a,
           sentiment_labels):
    aa = A2O_aspect_hidden_states.astype(jnp.float32)
    ao = A2O_opinion_hidden_states.astype(jnp.float32)
    oa = O2A_aspect_hidden_states.astype(jnp.float32)
    oo = O2A_opinion_hidden_states.astype(jnp.float32)
    ia_a = asp_idx_a2o.astype(jnp.int32)
    ja_a = opi_idx_a2o.astype(jnp.int32)
    ia_o = asp_idx_o2a.astype(jnp.int32)
    ja_o = opi_idx_o2a.astype(jnp.int32)

    idx_a = jnp.stack([ia_a, ja_a], axis=1).reshape(2 * B * K)
    idx_o = jnp.stack([ia_o, ja_o], axis=1).reshape(2 * B * K)
    g_rows, usrc = _sc_gather(aa.reshape(B * N, H), oo.reshape(B * N, H),
                              oa.reshape(B * N, H), idx_a, idx_o, ia_o)
    g_rows = g_rows.reshape(4 * B, K, H)
    usrc = usrc.reshape(B, K, H)

    va, vo = _tc_v(ao, oo, W_A2O[H:], W_O2A[H:])

    aspc = jnp.stack([ia_a, ia_o], axis=1).reshape(2 * B, K, 1)
    opir = jnp.stack([ja_a, ja_o], axis=1).reshape(2 * B, 1, K)
    w1s = jnp.stack([W_A2O[:H], W_O2A[:H]]).astype(jnp.float32)
    b1s = jnp.stack([b_A2O.reshape(1, 3), b_O2A.reshape(1, 3)]).astype(jnp.float32)
    js, us = _tc_argmax(g_rows, usrc, w1s, b1s, aspc.astype(jnp.float32),
                        opir.astype(jnp.float32))
    js = js.reshape(2 * B, K)

    fl_rm, fl_t = _sc_combine(us.reshape(2 * B, 3 * K),
                              va.reshape(B, 3 * N), vo.reshape(B, 3 * N),
                              js, ia_a, ia_o,
                              jnp.zeros((3 * N,), jnp.float32))
    fl = fl_rm.reshape(B, N, 3)

    lab3 = sentiment_labels.astype(jnp.int32).reshape(B, 1, N)
    pred, loss = _tc_loss(fl_t.reshape(B, 3, N), lab3)
    return fl, pred.reshape(B, N), loss.reshape(())

# --- scband reference (transcript-rebuilt; emitter-appended) ---
"""Pipeline reference for scband-matching-module-5918464933937 (READ-ONLY COPY).

The authoritative reference and input builder live on the scoring server;
editing this copy changes nothing except your own understanding.
"""

import jax, jax.numpy as jnp
import numpy as np

B, N, H, K = 4, 2048, 768, 256


def setup_inputs(seed: int = 0) -> dict:
    key = jax.random.key(seed)
    ks = [jax.random.fold_in(key, i) for i in range(16)]
    inp = {}
    inp["A2O_aspect_hidden_states"] = jax.random.normal(ks[0], (B, N, H), dtype=jnp.float32)
    inp["A2O_opinion_hidden_states"] = jax.random.normal(ks[1], (B, N, H), dtype=jnp.float32)
    inp["O2A_aspect_hidden_states"] = jax.random.normal(ks[2], (B, N, H), dtype=jnp.float32)
    inp["O2A_opinion_hidden_states"] = jax.random.normal(ks[3], (B, N, H), dtype=jnp.float32)
    inp["W_A2O"] = jax.random.normal(ks[4], (2 * H, 3), dtype=jnp.float32) * 0.02
    inp["b_A2O"] = jnp.zeros((3,), jnp.float32)
    inp["W_O2A"] = jax.random.normal(ks[5], (2 * H, 3), dtype=jnp.float32) * 0.02
    inp["b_O2A"] = jnp.zeros((3,), jnp.float32)
    inp["asp_idx_a2o"] = jax.random.randint(ks[6], (B, K), 0, N)
    inp["opi_idx_a2o"] = jax.random.randint(ks[7], (B, K), 0, N)
    inp["asp_idx_o2a"] = jax.random.randint(ks[8], (B, K), 0, N)
    inp["opi_idx_o2a"] = jax.random.randint(ks[9], (B, K), 0, N)
    inp["sentiment_labels"] = jax.random.randint(ks[10], (B, N), 0, 3)
    return inp


def _matching(a_hs, o_hs, h, asp_idx, opi_idx):
    # score[i,j] = h[i].h[j]/100 only for (i,j) in asp x opi, i != j (torch loops)
    n = a_hs.shape[0]
    h_a = jnp.take(h, asp_idx, axis=0)
    h_o = jnp.take(h, opi_idx, axis=0)
    sub = (h_a @ h_o.T) / 100.0
    neq = (asp_idx[:, None] != opi_idx[None, :]).astype(a_hs.dtype)
    sub = sub * neq
    score = jnp.zeros((n, n), a_hs.dtype).at[asp_idx[:, None], opi_idx[None, :]].set(sub)
    pmask = jnp.zeros((n, n), a_hs.dtype).at[asp_idx[:, None], opi_idx[None, :]].set(neq)
    row_sum = jnp.sum(score, axis=-1, keepdims=True)
    # A[i,j] = exp(score[i,j]) / exp(sum(score[i])) only at masked pairs
    A = jnp.exp(score - row_sum) * pmask
    max_inds = jnp.argmax(A, axis=-1)
    rows = jnp.concatenate([a_hs, jnp.take(o_hs, max_inds, axis=0)], axis=-1)
    asp_mask = jnp.zeros((n,), a_hs.dtype).at[asp_idx].set(1.0)
    # scatter-overwrite: final[idx] = cat(a_hs[idx], o_hs[max_inds[idx]]); others stay zero
    final = rows * asp_mask[:, None]
    return final, asp_mask


def _forward(a2o_a, a2o_o, o2a_a, o2a_o, W_A2O, b_A2O, W_O2A, b_O2A,
             asp_a2o, opi_a2o, asp_o2a, opi_o2a, labels):
    def per_example(aa, ao, oa, oo, ia, ja, io, jo, lab):
        # T=2 (even): A2O scores use aspect hidden states, O2A scores use opinion hidden states
        f_a2o, m_a2o = _matching(aa, ao, aa, ia, ja)
        f_o2a, m_o2a = _matching(oa, oo, oo, io, jo)
        l_a2o = (f_a2o @ W_A2O + b_A2O) * m_a2o[:, None]
        l_o2a = (f_o2a @ W_O2A + b_O2A) * m_o2a[:, None]
        fl = 0.5 * (l_a2o + l_o2a)
        valid = (jnp.sum(jnp.abs(fl), axis=-1) > 0).astype(fl.dtype)
        w = jnp.array([1.0, 2.0, 4.0], fl.dtype)
        logp = jax.nn.log_softmax(fl, axis=-1)
        nll = -jnp.take_along_axis(logp, lab[:, None], axis=1)[:, 0]
        wl = w[lab] * valid
        loss = jnp.sum(nll * wl) / jnp.maximum(jnp.sum(wl), 1e-6)
        return fl, valid, loss

    fl, valid, loss = jax.vmap(per_example)(a2o_a, a2o_o, o2a_a, o2a_o,
                                            asp_a2o, opi_a2o, asp_o2a, opi_o2a, labels)
    lossS = jnp.sum(loss)
    predicts = jnp.where(valid > 0, jnp.argmax(fl, axis=-1), -1)
    return fl, predicts, lossS


def reference(A2O_aspect_hidden_states, A2O_opinion_hidden_states,
              O2A_aspect_hidden_states, O2A_opinion_hidden_states,
              W_A2O, b_A2O, W_O2A, b_O2A,
              asp_idx_a2o, opi_idx_a2o, asp_idx_o2a, opi_idx_o2a,
              sentiment_labels):
    return _forward(A2O_aspect_hidden_states, A2O_opinion_hidden_states,
                    O2A_aspect_hidden_states, O2A_opinion_hidden_states,
                    W_A2O, b_A2O, W_O2A, b_O2A,
                    asp_idx_a2o, opi_idx_a2o, asp_idx_o2a, opi_idx_o2a,
                    sentiment_labels)

if __name__ == "__main__":
    import jax
    _d = setup_inputs()
    print(jax.jit(kernel)(*tuple(_d.values())))

</pallas_src>

<mosaic_0001>
#map = affine_map<(d0, d1) -> (0, 0)>
#map1 = affine_map<(d0, d1) -> (0)>
module attributes {stable_mosaic.version = 14 : i64} {
  func.func @_combine_body(%arg0: i32, %arg1: i32, %arg2: memref<8x768xf32, #tpu.memory_space<hbm>>, %arg3: memref<4x6144xf32, #tpu.memory_space<hbm>>, %arg4: memref<4x6144xf32, #tpu.memory_space<hbm>>, %arg5: memref<8x256xi32, #tpu.memory_space<hbm>>, %arg6: memref<4x256xi32, #tpu.memory_space<hbm>>, %arg7: memref<4x256xi32, #tpu.memory_space<hbm>>, %arg8: memref<6144xf32, #tpu.memory_space<hbm>>, %arg9: memref<4x6144xf32, #tpu.memory_space<hbm>>, %arg10: memref<4x6144xf32, #tpu.memory_space<hbm>>, %arg11: memref<768xf32, #tpu.memory_space<vmem>>, %arg12: memref<6144xf32, #tpu.memory_space<vmem>>, %arg13: memref<768xf32, #tpu.memory_space<vmem>>, %arg14: memref<6144xf32, #tpu.memory_space<vmem>>, %arg15: memref<6144xf32, #tpu.memory_space<vmem>>, %arg16: memref<6144xf32, #tpu.memory_space<vmem>>, %arg17: memref<6144xf32, #tpu.memory_space<vmem>>, %arg18: memref<256xi32, #tpu.memory_space<vmem>>, %arg19: memref<256xi32, #tpu.memory_space<vmem>>, %arg20: memref<256xi32, #tpu.memory_space<vmem>>, %arg21: memref<256xi32, #tpu.memory_space<vmem>>) attributes {dimension_semantics = [#tpu.dimension_semantics<core_parallel>, #tpu.dimension_semantics<subcore_parallel>], iteration_bounds = array<i64: 2, 16>, scalar_prefetch = 0 : i64, scratch_operands = 11 : i64, tpu.core_type = #tpu.core_type<sc_vector_subcore>, window_params = [{transform_indices = #map}, {transform_indices = #map}, {transform_indices = #map}, {transform_indices = #map}, {transform_indices = #map}, {transform_indices = #map}, {transform_indices = #map1}, {transform_indices = #map}, {transform_indices = #map}]} {
    %mul3A = arith.constant 2 : i32
    %mul3A_0 = arith.muli %arg1, %mul3A : i32
    %add3A = arith.addi %mul3A_0, %arg0 : i32
    %iota3A = tpu.iota {dimensions = array<i32: 0>} : vector<16xi32>
    %lt3A = arith.constant 4 : i32
    %lt3A_1 = arith.cmpi slt, %add3A, %lt3A : i32
    %convert_element_type3A = arith.extui %lt3A_1 : i1 to i32
    %cond3A = arith.constant 0 : i32
    %cond3A_2 = arith.cmpi ne, %convert_element_type3A, %cond3A : i32
    scf.if %cond3A_2 {
      "tpu.region"() ({
        %run_scoped3A = tpu.sem_alloc : memref<!tpu.dma_semaphore, #tpu.memory_space<semaphore_mem>>
        tpu.enqueue_dma source(%arg8 : memref<6144xf32, #tpu.memory_space<hbm>>) target(%arg15 : memref<6144xf32, #tpu.memory_space<vmem>>) target_semaphore(%run_scoped3A : memref<!tpu.dma_semaphore, #tpu.memory_space<semaphore_mem>>)
        tpu.wait_dma2 semaphore(%run_scoped3A : memref<!tpu.dma_semaphore, #tpu.memory_space<semaphore_mem>>) src(%arg8 : memref<6144xf32, #tpu.memory_space<hbm>>) dst(%arg15 : memref<6144xf32, #tpu.memory_space<vmem>>)
        tpu.yield
      }) : () -> ()
      "tpu.region"() ({
        %run_scoped3A = tpu.sem_alloc : memref<!tpu.dma_semaphore, #tpu.memory_space<semaphore_mem>>
        tpu.enqueue_dma source(%arg8 : memref<6144xf32, #tpu.memory_space<hbm>>) target(%arg16 : memref<6144xf32, #tpu.memory_space<vmem>>) target_semaphore(%run_scoped3A : memref<!tpu.dma_semaphore, #tpu.memory_space<semaphore_mem>>)
        tpu.wait_dma2 semaphore(%run_scoped3A : memref<!tpu.dma_semaphore, #tpu.memory_space<semaphore_mem>>) src(%arg8 : memref<6144xf32, #tpu.memory_space<hbm>>) dst(%arg16 : memref<6144xf32, #tpu.memory_space<vmem>>)
        tpu.yield
      }) : () -> ()
      %mul3A_3 = arith.constant 2 : i32
      %mul3A_4 = arith.muli %mul3A_3, %add3A : i32
      "tpu.region"() ({
        %run_scoped3A = tpu.sem_alloc : memref<!tpu.dma_semaphore, #tpu.memory_space<semaphore_mem>>
        %dma_start3A = arith.constant 0 : i32
        %dma_start3A_35 = tpu.memref_slice %arg2[%mul3A_4, %dma_start3A] : memref<8x768xf32, #tpu.memory_space<hbm>> -> memref<1x768xf32, #tpu.memory_space<hbm>>
        %dma_start3A_36 = tpu.memref_squeeze %dma_start3A_35 : memref<1x768xf32, #tpu.memory_space<hbm>> -> memref<768xf32, #tpu.memory_space<hbm>>
        %dma_start3A_37 = arith.constant 0 : i32
        %dma_start3A_38 = tpu.memref_slice %arg2[%mul3A_4, %dma_start3A_37] : memref<8x768xf32, #tpu.memory_space<hbm>> -> memref<1x768xf32, #tpu.memory_space<hbm>>
        %dma_start3A_39 = tpu.memref_squeeze %dma_start3A_38 : memref<1x768xf32, #tpu.memory_space<hbm>> -> memref<768xf32, #tpu.memory_space<hbm>>
        tpu.enqueue_dma source(%dma_start3A_39 : memref<768xf32, #tpu.memory_space<hbm>>) target(%arg11 : memref<768xf32, #tpu.memory_space<vmem>>) target_semaphore(%run_scoped3A : memref<!tpu.dma_semaphore, #tpu.memory_space<semaphore_mem>>)
        %dma_wait3A = arith.constant 0 : i32
        %dma_wait3A_40 = tpu.memref_slice %arg2[%mul3A_4, %dma_wait3A] : memref<8x768xf32, #tpu.memory_space<hbm>> -> memref<1x768xf32, #tpu.memory_space<hbm>>
        %dma_wait3A_41 = tpu.memref_squeeze %dma_wait3A_40 : memref<1x768xf32, #tpu.memory_space<hbm>> -> memref<768xf32, #tpu.memory_space<hbm>>
        %dma_wait3A_42 = arith.constant 0 : i32
        %dma_wait3A_43 = tpu.memref_slice %arg2[%mul3A_4, %dma_wait3A_42] : memref<8x768xf32, #tpu.memory_space<hbm>> -> memref<1x768xf32, #tpu.memory_space<hbm>>
        %dma_wait3A_44 = tpu.memref_squeeze %dma_wait3A_43 : memref<1x768xf32, #tpu.memory_space<hbm>> -> memref<768xf32, #tpu.memory_space<hbm>>
        tpu.wait_dma2 semaphore(%run_scoped3A : memref<!tpu.dma_semaphore, #tpu.memory_space<semaphore_mem>>) src(%dma_wait3A_44 : memref<768xf32, #tpu.memory_space<hbm>>) dst(%arg11 : memref<768xf32, #tpu.memory_space<vmem>>)
        tpu.yield
      }) : () -> ()
      "tpu.region"() ({
        %run_scoped3A = tpu.sem_alloc : memref<!tpu.dma_semaphore, #tpu.memory_space<semaphore_mem>>
        %dma_start3A = arith.constant 0 : i32
        %dma_start3A_35 = tpu.memref_slice %arg3[%add3A, %dma_start3A] : memref<4x6144xf32, #tpu.memory_space<hbm>> -> memref<1x6144xf32, #tpu.memory_space<hbm>>
        %dma_start3A_36 = tpu.memref_squeeze %dma_start3A_35 : memref<1x6144xf32, #tpu.memory_space<hbm>> -> memref<6144xf32, #tpu.memory_space<hbm>>
        %dma_start3A_37 = arith.constant 0 : i32
        %dma_start3A_38 = tpu.memref_slice %arg3[%add3A, %dma_start3A_37] : memref<4x6144xf32, #tpu.memory_space<hbm>> -> memref<1x6144xf32, #tpu.memory_space<hbm>>
        %dma_start3A_39 = tpu.memref_squeeze %dma_start3A_38 : memref<1x6144xf32, #tpu.memory_space<hbm>> -> memref<6144xf32, #tpu.memory_space<hbm>>
        tpu.enqueue_dma source(%dma_start3A_39 : memref<6144xf32, #tpu.memory_space<hbm>>) target(%arg12 : memref<6144xf32, #tpu.memory_space<vmem>>) target_semaphore(%run_scoped3A : memref<!tpu.dma_semaphore, #tpu.memory_space<semaphore_mem>>)
        %dma_wait3A = arith.constant 0 : i32
        %dma_wait3A_40 = tpu.memref_slice %arg3[%add3A, %dma_wait3A] : memref<4x6144xf32, #tpu.memory_space<hbm>> -> memref<1x6144xf32, #tpu.memory_space<hbm>>
        %dma_wait3A_41 = tpu.memref_squeeze %dma_wait3A_40 : memref<1x6144xf32, #tpu.memory_space<hbm>> -> memref<6144xf32, #tpu.memory_space<hbm>>
        %dma_wait3A_42 = arith.constant 0 : i32
        %dma_wait3A_43 = tpu.memref_slice %arg3[%add3A, %dma_wait3A_42] : memref<4x6144xf32, #tpu.memory_space<hbm>> -> memref<1x6144xf32, #tpu.memory_space<hbm>>
        %dma_wait3A_44 = tpu.memref_squeeze %dma_wait3A_43 : memref<1x6144xf32, #tpu.memory_space<hbm>> -> memref<6144xf32, #tpu.memory_space<hbm>>
        tpu.wait_dma2 semaphore(%run_scoped3A : memref<!tpu.dma_semaphore, #tpu.memory_space<semaphore_mem>>) src(%dma_wait3A_44 : memref<6144xf32, #tpu.memory_space<hbm>>) dst(%arg12 : memref<6144xf32, #tpu.memory_space<vmem>>)
        tpu.yield
      }) : () -> ()
      %mul3A_5 = arith.constant 2 : i32
      %mul3A_6 = arith.muli %mul3A_5, %add3A : i32
      %add3A_7 = arith.constant 1 : i32
      %add3A_8 = arith.addi %mul3A_6, %add3A_7 : i32
      "tpu.region"() ({
        %run_scoped3A = tpu.sem_alloc : memref<!tpu.dma_semaphore, #tpu.memory_space<semaphore_mem>>
        %dma_start3A = arith.constant 0 : i32
        %dma_start3A_35 = tpu.memref_slice %arg2[%add3A_8, %dma_start3A] : memref<8x768xf32, #tpu.memory_space<hbm>> -> memref<1x768xf32, #tpu.memory_space<hbm>>
        %dma_start3A_36 = tpu.memref_squeeze %dma_start3A_35 : memref<1x768xf32, #tpu.memory_space<hbm>> -> memref<768xf32, #tpu.memory_space<hbm>>
        %dma_start3A_37 = arith.constant 0 : i32
        %dma_start3A_38 = tpu.memref_slice %arg2[%add3A_8, %dma_start3A_37] : memref<8x768xf32, #tpu.memory_space<hbm>> -> memref<1x768xf32, #tpu.memory_space<hbm>>
        %dma_start3A_39 = tpu.memref_squeeze %dma_start3A_38 : memref<1x768xf32, #tpu.memory_space<hbm>> -> memref<768xf32, #tpu.memory_space<hbm>>
        tpu.enqueue_dma source(%dma_start3A_39 : memref<768xf32, #tpu.memory_space<hbm>>) target(%arg13 : memref<768xf32, #tpu.memory_space<vmem>>) target_semaphore(%run_scoped3A : memref<!tpu.dma_semaphore, #tpu.memory_space<semaphore_mem>>)
        %dma_wait3A = arith.constant 0 : i32
        %dma_wait3A_40 = tpu.memref_slice %arg2[%add3A_8, %dma_wait3A] : memref<8x768xf32, #tpu.memory_space<hbm>> -> memref<1x768xf32, #tpu.memory_space<hbm>>
        %dma_wait3A_41 = tpu.memref_squeeze %dma_wait3A_40 : memref<1x768xf32, #tpu.memory_space<hbm>> -> memref<768xf32, #tpu.memory_space<hbm>>
        %dma_wait3A_42 = arith.constant 0 : i32
        %dma_wait3A_43 = tpu.memref_slice %arg2[%add3A_8, %dma_wait3A_42] : memref<8x768xf32, #tpu.memory_space<hbm>> -> memref<1x768xf32, #tpu.memory_space<hbm>>
        %dma_wait3A_44 = tpu.memref_squeeze %dma_wait3A_43 : memref<1x768xf32, #tpu.memory_space<hbm>> -> memref<768xf32, #tpu.memory_space<hbm>>
        tpu.wait_dma2 semaphore(%run_scoped3A : memref<!tpu.dma_semaphore, #tpu.memory_space<semaphore_mem>>) src(%dma_wait3A_44 : memref<768xf32, #tpu.memory_space<hbm>>) dst(%arg13 : memref<768xf32, #tpu.memory_space<vmem>>)
        tpu.yield
      }) : () -> ()
      "tpu.region"() ({
        %run_scoped3A = tpu.sem_alloc : memref<!tpu.dma_semaphore, #tpu.memory_space<semaphore_mem>>
        %dma_start3A = arith.constant 0 : i32
        %dma_start3A_35 = tpu.memref_slice %arg4[%add3A, %dma_start3A] : memref<4x6144xf32, #tpu.memory_space<hbm>> -> memref<1x6144xf32, #tpu.memory_space<hbm>>
        %dma_start3A_36 = tpu.memref_squeeze %dma_start3A_35 : memref<1x6144xf32, #tpu.memory_space<hbm>> -> memref<6144xf32, #tpu.memory_space<hbm>>
        %dma_start3A_37 = arith.constant 0 : i32
        %dma_start3A_38 = tpu.memref_slice %arg4[%add3A, %dma_start3A_37] : memref<4x6144xf32, #tpu.memory_space<hbm>> -> memref<1x6144xf32, #tpu.memory_space<hbm>>
        %dma_start3A_39 = tpu.memref_squeeze %dma_start3A_38 : memref<1x6144xf32, #tpu.memory_space<hbm>> -> memref<6144xf32, #tpu.memory_space<hbm>>
        tpu.enqueue_dma source(%dma_start3A_39 : memref<6144xf32, #tpu.memory_space<hbm>>) target(%arg14 : memref<6144xf32, #tpu.memory_space<vmem>>) target_semaphore(%run_scoped3A : memref<!tpu.dma_semaphore, #tpu.memory_space<semaphore_mem>>)
        %dma_wait3A = arith.constant 0 : i32
        %dma_wait3A_40 = tpu.memref_slice %arg4[%add3A, %dma_wait3A] : memref<4x6144xf32, #tpu.memory_space<hbm>> -> memref<1x6144xf32, #tpu.memory_space<hbm>>
        %dma_wait3A_41 = tpu.memref_squeeze %dma_wait3A_40 : memref<1x6144xf32, #tpu.memory_space<hbm>> -> memref<6144xf32, #tpu.memory_space<hbm>>
        %dma_wait3A_42 = arith.constant 0 : i32
        %dma_wait3A_43 = tpu.memref_slice %arg4[%add3A, %dma_wait3A_42] : memref<4x6144xf32, #tpu.memory_space<hbm>> -> memref<1x6144xf32, #tpu.memory_space<hbm>>
        %dma_wait3A_44 = tpu.memref_squeeze %dma_wait3A_43 : memref<1x6144xf32, #tpu.memory_space<hbm>> -> memref<6144xf32, #tpu.memory_space<hbm>>
        tpu.wait_dma2 semaphore(%run_scoped3A : memref<!tpu.dma_semaphore, #tpu.memory_space<semaphore_mem>>) src(%dma_wait3A_44 : memref<6144xf32, #tpu.memory_space<hbm>>) dst(%arg14 : memref<6144xf32, #tpu.memory_space<vmem>>)
        tpu.yield
      }) : () -> ()
      "tpu.region"() ({
        %run_scoped3A = tpu.sem_alloc : memref<!tpu.dma_semaphore, #tpu.memory_space<semaphore_mem>>
        %dma_start3A = arith.constant 0 : i32
        %dma_start3A_35 = tpu.memref_slice %arg6[%add3A, %dma_start3A] : memref<4x256xi32, #tpu.memory_space<hbm>> -> memref<1x256xi32, #tpu.memory_space<hbm>>
        %dma_start3A_36 = tpu.memref_squeeze %dma_start3A_35 : memref<1x256xi32, #tpu.memory_space<hbm>> -> memref<256xi32, #tpu.memory_space<hbm>>
        %dma_start3A_37 = arith.constant 0 : i32
        %dma_start3A_38 = tpu.memref_slice %arg6[%add3A, %dma_start3A_37] : memref<4x256xi32, #tpu.memory_space<hbm>> -> memref<1x256xi32, #tpu.memory_space<hbm>>
        %dma_start3A_39 = tpu.memref_squeeze %dma_start3A_38 : memref<1x256xi32, #tpu.memory_space<hbm>> -> memref<256xi32, #tpu.memory_space<hbm>>
        tpu.enqueue_dma source(%dma_start3A_39 : memref<256xi32, #tpu.memory_space<hbm>>) target(%arg18 : memref<256xi32, #tpu.memory_space<vmem>>) target_semaphore(%run_scoped3A : memref<!tpu.dma_semaphore, #tpu.memory_space<semaphore_mem>>)
        %dma_wait3A = arith.constant 0 : i32
        %dma_wait3A_40 = tpu.memref_slice %arg6[%add3A, %dma_wait3A] : memref<4x256xi32, #tpu.memory_space<hbm>> -> memref<1x256xi32, #tpu.memory_space<hbm>>
        %dma_wait3A_41 = tpu.memref_squeeze %dma_wait3A_40 : memref<1x256xi32, #tpu.memory_space<hbm>> -> memref<256xi32, #tpu.memory_space<hbm>>
        %dma_wait3A_42 = arith.constant 0 : i32
        %dma_wait3A_43 = tpu.memref_slice %arg6[%add3A, %dma_wait3A_42] : memref<4x256xi32, #tpu.memory_space<hbm>> -> memref<1x256xi32, #tpu.memory_space<hbm>>
        %dma_wait3A_44 = tpu.memref_squeeze %dma_wait3A_43 : memref<1x256xi32, #tpu.memory_space<hbm>> -> memref<256xi32, #tpu.memory_space<hbm>>
        tpu.wait_dma2 semaphore(%run_scoped3A : memref<!tpu.dma_semaphore, #tpu.memory_space<semaphore_mem>>) src(%dma_wait3A_44 : memref<256xi32, #tpu.memory_space<hbm>>) dst(%arg18 : memref<256xi32, #tpu.memory_space<vmem>>)
        tpu.yield
      }) : () -> ()
      %mul3A_9 = arith.constant 2 : i32
      %mul3A_10 = arith.muli %mul3A_9, %add3A : i32
      "tpu.region"() ({
        %run_scoped3A = tpu.sem_alloc : memref<!tpu.dma_semaphore, #tpu.memory_space<semaphore_mem>>
        %dma_start3A = arith.constant 0 : i32
        %dma_start3A_35 = tpu.memref_slice %arg5[%mul3A_10, %dma_start3A] : memref<8x256xi32, #tpu.memory_space<hbm>> -> memref<1x256xi32, #tpu.memory_space<hbm>>
        %dma_start3A_36 = tpu.memref_squeeze %dma_start3A_35 : memref<1x256xi32, #tpu.memory_space<hbm>> -> memref<256xi32, #tpu.memory_space<hbm>>
        %dma_start3A_37 = arith.constant 0 : i32
        %dma_start3A_38 = tpu.memref_slice %arg5[%mul3A_10, %dma_start3A_37] : memref<8x256xi32, #tpu.memory_space<hbm>> -> memref<1x256xi32, #tpu.memory_space<hbm>>
        %dma_start3A_39 = tpu.memref_squeeze %dma_start3A_38 : memref<1x256xi32, #tpu.memory_space<hbm>> -> memref<256xi32, #tpu.memory_space<hbm>>
        tpu.enqueue_dma source(%dma_start3A_39 : memref<256xi32, #tpu.memory_space<hbm>>) target(%arg19 : memref<256xi32, #tpu.memory_space<vmem>>) target_semaphore(%run_scoped3A : memref<!tpu.dma_semaphore, #tpu.memory_space<semaphore_mem>>)
        %dma_wait3A = arith.constant 0 : i32
        %dma_wait3A_40 = tpu.memref_slice %arg5[%mul3A_10, %dma_wait3A] : memref<8x256xi32, #tpu.memory_space<hbm>> -> memref<1x256xi32, #tpu.memory_space<hbm>>
        %dma_wait3A_41 = tpu.memref_squeeze %dma_wait3A_40 : memref<1x256xi32, #tpu.memory_space<hbm>> -> memref<256xi32, #tpu.memory_space<hbm>>
        %dma_wait3A_42 = arith.constant 0 : i32
        %dma_wait3A_43 = tpu.memref_slice %arg5[%mul3A_10, %dma_wait3A_42] : memref<8x256xi32, #tpu.memory_space<hbm>> -> memref<1x256xi32, #tpu.memory_space<hbm>>
        %dma_wait3A_44 = tpu.memref_squeeze %dma_wait3A_43 : memref<1x256xi32, #tpu.memory_space<hbm>> -> memref<256xi32, #tpu.memory_space<hbm>>
        tpu.wait_dma2 semaphore(%run_scoped3A : memref<!tpu.dma_semaphore, #tpu.memory_space<semaphore_mem>>) src(%dma_wait3A_44 : memref<256xi32, #tpu.memory_space<hbm>>) dst(%arg19 : memref<256xi32, #tpu.memory_space<vmem>>)
        tpu.yield
      }) : () -> ()
      "tpu.region"() ({
        %run_scoped3A = tpu.sem_alloc : memref<!tpu.dma_semaphore, #tpu.memory_space<semaphore_mem>>
        %dma_start3A = arith.constant 0 : i32
        %dma_start3A_35 = tpu.memref_slice %arg7[%add3A, %dma_start3A] : memref<4x256xi32, #tpu.memory_space<hbm>> -> memref<1x256xi32, #tpu.memory_space<hbm>>
        %dma_start3A_36 = tpu.memref_squeeze %dma_start3A_35 : memref<1x256xi32, #tpu.memory_space<hbm>> -> memref<256xi32, #tpu.memory_space<hbm>>
        %dma_start3A_37 = arith.constant 0 : i32
        %dma_start3A_38 = tpu.memref_slice %arg7[%add3A, %dma_start3A_37] : memref<4x256xi32, #tpu.memory_space<hbm>> -> memref<1x256xi32, #tpu.memory_space<hbm>>
        %dma_start3A_39 = tpu.memref_squeeze %dma_start3A_38 : memref<1x256xi32, #tpu.memory_space<hbm>> -> memref<256xi32, #tpu.memory_space<hbm>>
        tpu.enqueue_dma source(%dma_start3A_39 : memref<256xi32, #tpu.memory_space<hbm>>) target(%arg20 : memref<256xi32, #tpu.memory_space<vmem>>) target_semaphore(%run_scoped3A : memref<!tpu.dma_semaphore, #tpu.memory_space<semaphore_mem>>)
        %dma_wait3A = arith.constant 0 : i32
        %dma_wait3A_40 = tpu.memref_slice %arg7[%add3A, %dma_wait3A] : memref<4x256xi32, #tpu.memory_space<hbm>> -> memref<1x256xi32, #tpu.memory_space<hbm>>
        %dma_wait3A_41 = tpu.memref_squeeze %dma_wait3A_40 : memref<1x256xi32, #tpu.memory_space<hbm>> -> memref<256xi32, #tpu.memory_space<hbm>>
        %dma_wait3A_42 = arith.constant 0 : i32
        %dma_wait3A_43 = tpu.memref_slice %arg7[%add3A, %dma_wait3A_42] : memref<4x256xi32, #tpu.memory_space<hbm>> -> memref<1x256xi32, #tpu.memory_space<hbm>>
        %dma_wait3A_44 = tpu.memref_squeeze %dma_wait3A_43 : memref<1x256xi32, #tpu.memory_space<hbm>> -> memref<256xi32, #tpu.memory_space<hbm>>
        tpu.wait_dma2 semaphore(%run_scoped3A : memref<!tpu.dma_semaphore, #tpu.memory_space<semaphore_mem>>) src(%dma_wait3A_44 : memref<256xi32, #tpu.memory_space<hbm>>) dst(%arg20 : memref<256xi32, #tpu.memory_space<vmem>>)
        tpu.yield
      }) : () -> ()
      %mul3A_11 = arith.constant 2 : i32
      %mul3A_12 = arith.muli %mul3A_11, %add3A : i32
      %add3A_13 = arith.constant 1 : i32
      %add3A_14 = arith.addi %mul3A_12, %add3A_13 : i32
      "tpu.region"() ({
        %run_scoped3A = tpu.sem_alloc : memref<!tpu.dma_semaphore, #tpu.memory_space<semaphore_mem>>
        %dma_start3A = arith.constant 0 : i32
        %dma_start3A_35 = tpu.memref_slice %arg5[%add3A_14, %dma_start3A] : memref<8x256xi32, #tpu.memory_space<hbm>> -> memref<1x256xi32, #tpu.memory_space<hbm>>
        %dma_start3A_36 = tpu.memref_squeeze %dma_start3A_35 : memref<1x256xi32, #tpu.memory_space<hbm>> -> memref<256xi32, #tpu.memory_space<hbm>>
        %dma_start3A_37 = arith.constant 0 : i32
        %dma_start3A_38 = tpu.memref_slice %arg5[%add3A_14, %dma_start3A_37] : memref<8x256xi32, #tpu.memory_space<hbm>> -> memref<1x256xi32, #tpu.memory_space<hbm>>
        %dma_start3A_39 = tpu.memref_squeeze %dma_start3A_38 : memref<1x256xi32, #tpu.memory_space<hbm>> -> memref<256xi32, #tpu.memory_space<hbm>>
        tpu.enqueue_dma source(%dma_start3A_39 : memref<256xi32, #tpu.memory_space<hbm>>) target(%arg21 : memref<256xi32, #tpu.memory_space<vmem>>) target_semaphore(%run_scoped3A : memref<!tpu.dma_semaphore, #tpu.memory_space<semaphore_mem>>)
        %dma_wait3A = arith.constant 0 : i32
        %dma_wait3A_40 = tpu.memref_slice %arg5[%add3A_14, %dma_wait3A] : memref<8x256xi32, #tpu.memory_space<hbm>> -> memref<1x256xi32, #tpu.memory_space<hbm>>
        %dma_wait3A_41 = tpu.memref_squeeze %dma_wait3A_40 : memref<1x256xi32, #tpu.memory_space<hbm>> -> memref<256xi32, #tpu.memory_space<hbm>>
        %dma_wait3A_42 = arith.constant 0 : i32
        %dma_wait3A_43 = tpu.memref_slice %arg5[%add3A_14, %dma_wait3A_42] : memref<8x256xi32, #tpu.memory_space<hbm>> -> memref<1x256xi32, #tpu.memory_space<hbm>>
        %dma_wait3A_44 = tpu.memref_squeeze %dma_wait3A_43 : memref<1x256xi32, #tpu.memory_space<hbm>> -> memref<256xi32, #tpu.memory_space<hbm>>
        tpu.wait_dma2 semaphore(%run_scoped3A : memref<!tpu.dma_semaphore, #tpu.memory_space<semaphore_mem>>) src(%dma_wait3A_44 : memref<256xi32, #tpu.memory_space<hbm>>) dst(%arg21 : memref<256xi32, #tpu.memory_space<vmem>>)
        tpu.yield
      }) : () -> ()
      %scan3A = arith.constant 0 : i32
      %scan3A_15 = arith.constant 0 : i32
      %scan3A_16 = arith.constant 16 : i32
      %scan3A_17 = arith.addi %scan3A_15, %scan3A_16 : i32
      %scan3A_18 = arith.constant 1 : i32
      %scan3A_19 = scf.for %scan3A_35 = %scan3A_15 to %scan3A_17 step %scan3A_18 iter_args(%scan3A_36 = %scan3A) -> (i32)  : i32 {
        %mul3A_37 = arith.constant 16 : i32
        %mul3A_38 = arith.muli %scan3A_35, %mul3A_37 : i32
        %get3A = arith.index_cast %mul3A_38 : i32 to index
        %get3A_39 = tpu.vector_load %arg18[%get3A] {strides = array<i32>} : memref<256xi32, #tpu.memory_space<vmem>>, vector<16xi32>,
        %mul3A_40 = arith.constant 16 : i32
        %mul3A_41 = arith.muli %scan3A_35, %mul3A_40 : i32
        %get3A_42 = arith.index_cast %mul3A_41 : i32 to index
        %get3A_43 = tpu.vector_load %arg19[%get3A_42] {strides = array<i32>} : memref<256xi32, #tpu.memory_space<vmem>>, vector<16xi32>,
        %mul3A_44 = arith.constant 16 : i32
        %mul3A_45 = arith.muli %scan3A_35, %mul3A_44 : i32
        %add3A_46 = vector.broadcast %mul3A_45 : i32 to vector<16xi32>
        %add3A_47 = arith.addi %iota3A, %add3A_46 : vector<16xi32>
        %mul3A_48 = arith.constant 3 : i32
        %mul3A_49 = vector.broadcast %mul3A_48 : i32 to vector<16xi32>
        %mul3A_50 = arith.muli %add3A_47, %mul3A_49 : vector<16xi32>
        %add3A_51 = arith.constant 0 : i32
        %add3A_52 = vector.broadcast %add3A_51 : i32 to vector<16xi32>
        %add3A_53 = arith.addi %mul3A_50, %add3A_52 : vector<16xi32>
        %gather3A = tpu.vector_load_idx %arg11[%add3A_53] : memref<768xf32, #tpu.memory_space<vmem>>[vector<16xi32>], vector<16xf32>,
        %mul3A_54 = arith.constant 3 : i32
        %mul3A_55 = vector.broadcast %mul3A_54 : i32 to vector<16xi32>
        %mul3A_56 = arith.muli %get3A_43, %mul3A_55 : vector<16xi32>
        %add3A_57 = arith.constant 0 : i32
        %add3A_58 = vector.broadcast %add3A_57 : i32 to vector<16xi32>
        %add3A_59 = arith.addi %mul3A_56, %add3A_58 : vector<16xi32>
        %gather3A_60 = tpu.vector_load_idx %arg12[%add3A_59] : memref<6144xf32, #tpu.memory_space<vmem>>[vector<16xi32>], vector<16xf32>,
        %add3A_61 = arith.constant 0 : i32
        %add3A_62 = vector.broadcast %add3A_61 : i32 to vector<16xi32>
        %add3A_63 = arith.addi %get3A_39, %add3A_62 : vector<16xi32>
        %add3A_64 = arith.addf %gather3A, %gather3A_60 : vector<16xf32>
        tpu.vector_store_idx %arg15[%add3A_63], %add3A_64 : memref<6144xf32, #tpu.memory_space<vmem>>[vector<16xi32>], vector<16xf32>,
        %mul3A_65 = arith.constant 3 : i32
        %mul3A_66 = vector.broadcast %mul3A_65 : i32 to vector<16xi32>
        %mul3A_67 = arith.muli %add3A_47, %mul3A_66 : vector<16xi32>
        %add3A_68 = arith.constant 1 : i32
        %add3A_69 = vector.broadcast %add3A_68 : i32 to vector<16xi32>
        %add3A_70 = arith.addi %mul3A_67, %add3A_69 : vector<16xi32>
        %gather3A_71 = tpu.vector_load_idx %arg11[%add3A_70] : memref<768xf32, #tpu.memory_space<vmem>>[vector<16xi32>], vector<16xf32>,
        %mul3A_72 = arith.constant 3 : i32
        %mul3A_73 = vector.broadcast %mul3A_72 : i32 to vector<16xi32>
        %mul3A_74 = arith.muli %get3A_43, %mul3A_73 : vector<16xi32>
        %add3A_75 = arith.constant 1 : i32
        %add3A_76 = vector.broadcast %add3A_75 : i32 to vector<16xi32>
        %add3A_77 = arith.addi %mul3A_74, %add3A_76 : vector<16xi32>
        %gather3A_78 = tpu.vector_load_idx %arg12[%add3A_77] : memref<6144xf32, #tpu.memory_space<vmem>>[vector<16xi32>], vector<16xf32>,
        %add3A_79 = arith.constant 2048 : i32
        %add3A_80 = vector.broadcast %add3A_79 : i32 to vector<16xi32>
        %add3A_81 = arith.addi %get3A_39, %add3A_80 : vector<16xi32>
        %add3A_82 = arith.addf %gather3A_71, %gather3A_78 : vector<16xf32>
        tpu.vector_store_idx %arg15[%add3A_81], %add3A_82 : memref<6144xf32, #tpu.memory_space<vmem>>[vector<16xi32>], vector<16xf32>,
        %mul3A_83 = arith.constant 3 : i32
        %mul3A_84 = vector.broadcast %mul3A_83 : i32 to vector<16xi32>
        %mul3A_85 = arith.muli %add3A_47, %mul3A_84 : vector<16xi32>
        %add3A_86 = arith.constant 2 : i32
        %add3A_87 = vector.broadcast %add3A_86 : i32 to vector<16xi32>
        %add3A_88 = arith.addi %mul3A_85, %add3A_87 : vector<16xi32>
        %gather3A_89 = tpu.vector_load_idx %arg11[%add3A_88] : memref<768xf32, #tpu.memory_space<vmem>>[vector<16xi32>], vector<16xf32>,
        %mul3A_90 = arith.constant 3 : i32
        %mul3A_91 = vector.broadcast %mul3A_90 : i32 to vector<16xi32>
        %mul3A_92 = arith.muli %get3A_43, %mul3A_91 : vector<16xi32>
        %add3A_93 = arith.constant 2 : i32
        %add3A_94 = vector.broadcast %add3A_93 : i32 to vector<16xi32>
        %add3A_95 = arith.addi %mul3A_92, %add3A_94 : vector<16xi32>
        %gather3A_96 = tpu.vector_load_idx %arg12[%add3A_95] : memref<6144xf32, #tpu.memory_space<vmem>>[vector<16xi32>], vector<16xf32>,
        %add3A_97 = arith.constant 4096 : i32
        %add3A_98 = vector.broadcast %add3A_97 : i32 to vector<16xi32>
        %add3A_99 = arith.addi %get3A_39, %add3A_98 : vector<16xi32>
        %add3A_100 = arith.addf %gather3A_89, %gather3A_96 : vector<16xf32>
        tpu.vector_store_idx %arg15[%add3A_99], %add3A_100 : memref<6144xf32, #tpu.memory_space<vmem>>[vector<16xi32>], vector<16xf32>,
        %scan3A_101 = arith.constant 0 : i32
        scf.yield %scan3A_101 : i32
      }
      %scan3A_20 = arith.constant 16 : i32
      %scan3A_21 = arith.constant 0 : i32
      %scan3A_22 = arith.constant 0 : i32
      %scan3A_23 = arith.constant 16 : i32
      %scan3A_24 = arith.addi %scan3A_22, %scan3A_23 : i32
      %scan3A_25 = arith.constant 1 : i32
      %scan3A_26 = scf.for %scan3A_35 = %scan3A_22 to %scan3A_24 step %scan3A_25 iter_args(%scan3A_36 = %scan3A_21) -> (i32)  : i32 {
        %mul3A_37 = arith.constant 16 : i32
        %mul3A_38 = arith.muli %scan3A_35, %mul3A_37 : i32
        %get3A = arith.index_cast %mul3A_38 : i32 to index
        %get3A_39 = tpu.vector_load %arg20[%get3A] {strides = array<i32>} : memref<256xi32, #tpu.memory_space<vmem>>, vector<16xi32>,
        %mul3A_40 = arith.constant 16 : i32
        %mul3A_41 = arith.muli %scan3A_35, %mul3A_40 : i32
        %get3A_42 = arith.index_cast %mul3A_41 : i32 to index
        %get3A_43 = tpu.vector_load %arg21[%get3A_42] {strides = array<i32>} : memref<256xi32, #tpu.memory_space<vmem>>, vector<16xi32>,
        %mul3A_44 = arith.constant 16 : i32
        %mul3A_45 = arith.muli %scan3A_35, %mul3A_44 : i32
        %add3A_46 = vector.broadcast %mul3A_45 : i32 to vector<16xi32>
        %add3A_47 = arith.addi %iota3A, %add3A_46 : vector<16xi32>
        %mul3A_48 = arith.constant 3 : i32
        %mul3A_49 = vector.broadcast %mul3A_48 : i32 to vector<16xi32>
        %mul3A_50 = arith.muli %add3A_47, %mul3A_49 : vector<16xi32>
        %add3A_51 = arith.constant 0 : i32
        %add3A_52 = vector.broadcast %add3A_51 : i32 to vector<16xi32>
        %add3A_53 = arith.addi %mul3A_50, %add3A_52 : vector<16xi32>
        %gather3A = tpu.vector_load_idx %arg13[%add3A_53] : memref<768xf32, #tpu.memory_space<vmem>>[vector<16xi32>], vector<16xf32>,
        %mul3A_54 = arith.constant 3 : i32
        %mul3A_55 = vector.broadcast %mul3A_54 : i32 to vector<16xi32>
        %mul3A_56 = arith.muli %get3A_43, %mul3A_55 : vector<16xi32>
        %add3A_57 = arith.constant 0 : i32
        %add3A_58 = vector.broadcast %add3A_57 : i32 to vector<16xi32>
        %add3A_59 = arith.addi %mul3A_56, %add3A_58 : vector<16xi32>
        %gather3A_60 = tpu.vector_load_idx %arg14[%add3A_59] : memref<6144xf32, #tpu.memory_space<vmem>>[vector<16xi32>], vector<16xf32>,
        %add3A_61 = arith.constant 0 : i32
        %add3A_62 = vector.broadcast %add3A_61 : i32 to vector<16xi32>
        %add3A_63 = arith.addi %get3A_39, %add3A_62 : vector<16xi32>
        %add3A_64 = arith.addf %gather3A, %gather3A_60 : vector<16xf32>
        tpu.vector_store_idx %arg16[%add3A_63], %add3A_64 : memref<6144xf32, #tpu.memory_space<vmem>>[vector<16xi32>], vector<16xf32>,
        %mul3A_65 = arith.constant 3 : i32
        %mul3A_66 = vector.broadcast %mul3A_65 : i32 to vector<16xi32>
        %mul3A_67 = arith.muli %add3A_47, %mul3A_66 : vector<16xi32>
        %add3A_68 = arith.constant 1 : i32
        %add3A_69 = vector.broadcast %add3A_68 : i32 to vector<16xi32>
        %add3A_70 = arith.addi %mul3A_67, %add3A_69 : vector<16xi32>
        %gather3A_71 = tpu.vector_load_idx %arg13[%add3A_70] : memref<768xf32, #tpu.memory_space<vmem>>[vector<16xi32>], vector<16xf32>,
        %mul3A_72 = arith.constant 3 : i32
        %mul3A_73 = vector.broadcast %mul3A_72 : i32 to vector<16xi32>
        %mul3A_74 = arith.muli %get3A_43, %mul3A_73 : vector<16xi32>
        %add3A_75 = arith.constant 1 : i32
        %add3A_76 = vector.broadcast %add3A_75 : i32 to vector<16xi32>
        %add3A_77 = arith.addi %mul3A_74, %add3A_76 : vector<16xi32>
        %gather3A_78 = tpu.vector_load_idx %arg14[%add3A_77] : memref<6144xf32, #tpu.memory_space<vmem>>[vector<16xi32>], vector<16xf32>,
        %add3A_79 = arith.constant 2048 : i32
        %add3A_80 = vector.broadcast %add3A_79 : i32 to vector<16xi32>
        %add3A_81 = arith.addi %get3A_39, %add3A_80 : vector<16xi32>
        %add3A_82 = arith.addf %gather3A_71, %gather3A_78 : vector<16xf32>
        tpu.vector_store_idx %arg16[%add3A_81], %add3A_82 : memref<6144xf32, #tpu.memory_space<vmem>>[vector<16xi32>], vector<16xf32>,
        %mul3A_83 = arith.constant 3 : i32
        %mul3A_84 = vector.broadcast %mul3A_83 : i32 to vector<16xi32>
        %mul3A_85 = arith.muli %add3A_47, %mul3A_84 : vector<16xi32>
        %add3A_86 = arith.constant 2 : i32
        %add3A_87 = vector.broadcast %add3A_86 : i32 to vector<16xi32>
        %add3A_88 = arith.addi %mul3A_85, %add3A_87 : vector<16xi32>
        %gather3A_89 = tpu.vector_load_idx %arg13[%add3A_88] : memref<768xf32, #tpu.memory_space<vmem>>[vector<16xi32>], vector<16xf32>,
        %mul3A_90 = arith.constant 3 : i32
        %mul3A_91 = vector.broadcast %mul3A_90 : i32 to vector<16xi32>
        %mul3A_92 = arith.muli %get3A_43, %mul3A_91 : vector<16xi32>
        %add3A_93 = arith.constant 2 : i32
        %add3A_94 = vector.broadcast %add3A_93 : i32 to vector<16xi32>
        %add3A_95 = arith.addi %mul3A_92, %add3A_94 : vector<16xi32>
        %gather3A_96 = tpu.vector_load_idx %arg14[%add3A_95] : memref<6144xf32, #tpu.memory_space<vmem>>[vector<16xi32>], vector<16xf32>,
        %add3A_97 = arith.constant 4096 : i32
        %add3A_98 = vector.broadcast %add3A_97 : i32 to vector<16xi32>
        %add3A_99 = arith.addi %get3A_39, %add3A_98 : vector<16xi32>
        %add3A_100 = arith.addf %gather3A_89, %gather3A_96 : vector<16xf32>
        tpu.vector_store_idx %arg16[%add3A_99], %add3A_100 : memref<6144xf32, #tpu.memory_space<vmem>>[vector<16xi32>], vector<16xf32>,
        %scan3A_101 = arith.constant 0 : i32
        scf.yield %scan3A_101 : i32
      }
      %scan3A_27 = arith.constant 16 : i32
      %scan3A_28 = arith.constant 0 : i32
      %scan3A_29 = arith.constant 0 : i32
      %scan3A_30 = arith.constant 384 : i32
      %scan3A_31 = arith.addi %scan3A_29, %scan3A_30 : i32
      %scan3A_32 = arith.constant 1 : i32
      %scan3A_33 = scf.for %scan3A_35 = %scan3A_29 to %scan3A_31 step %scan3A_32 iter_args(%scan3A_36 = %scan3A_28) -> (i32)  : i32 {
        %mul3A_37 = arith.constant 16 : i32
        %mul3A_38 = arith.muli %scan3A_35, %mul3A_37 : i32
        %get3A = arith.index_cast %mul3A_38 : i32 to index
        %get3A_39 = tpu.vector_load %arg15[%get3A] {strides = array<i32>} : memref<6144xf32, #tpu.memory_space<vmem>>, vector<16xf32>,
        %get3A_40 = arith.index_cast %mul3A_38 : i32 to index
        %get3A_41 = tpu.vector_load %arg16[%get3A_40] {strides = array<i32>} : memref<6144xf32, #tpu.memory_space<vmem>>, vector<16xf32>,
        %add3A_42 = arith.addf %get3A_39, %get3A_41 : vector<16xf32>
        %mul3A_43 = arith.constant 5.000000e-01 : f32
        %mul3A_44 = vector.broadcast %mul3A_43 : f32 to vector<16xf32>
        %mul3A_45 = arith.mulf %add3A_42, %mul3A_44 : vector<16xf32>
        %swap3A = arith.index_cast %mul3A_38 : i32 to index
        %swap3A_46 = tpu.vector_load %arg15[%swap3A] {strides = array<i32>} : memref<6144xf32, #tpu.memory_space<vmem>>, vector<16xf32>,
        tpu.vector_store %arg15[%swap3A], %mul3A_45 {strides = array<i32>} : memref<6144xf32, #tpu.memory_space<vmem>>, vector<16xf32>,
        %mul3A_47 = arith.constant 16 : i32
        %mul3A_48 = arith.muli %scan3A_35, %mul3A_47 : i32
        %add3A_49 = vector.broadcast %mul3A_48 : i32 to vector<16xi32>
        %add3A_50 = arith.addi %iota3A, %add3A_49 : vector<16xi32>
        %jit3A = arith.constant 2048 : i32
        %div3A = vector.broadcast %jit3A : i32 to vector<16xi32>
        %div3A_51 = arith.divsi %add3A_50, %div3A : vector<16xi32>
        %sign3A = arith.constant 0 : i32
        %sign3A_52 = vector.broadcast %sign3A : i32 to vector<16xi32>
        %sign3A_53 = arith.cmpi sgt, %add3A_50, %sign3A_52 : vector<16xi32>
        %sign3A_54 = arith.extui %sign3A_53 : vector<16xi1> to vector<16xi32>
        %sign3A_55 = arith.constant 0 : i32
        %sign3A_56 = vector.broadcast %sign3A_55 : i32 to vector<16xi32>
        %sign3A_57 = arith.cmpi slt, %add3A_50, %sign3A_56 : vector<16xi32>
        %sign3A_58 = arith.extui %sign3A_57 : vector<16xi1> to vector<16xi32>
        %sign3A_59 = arith.subi %sign3A_54, %sign3A_58 : vector<16xi32>
        %sign3A_60 = arith.constant 0 : i32
        %sign3A_61 = arith.cmpi sgt, %jit3A, %sign3A_60 : i32
        %sign3A_62 = arith.extui %sign3A_61 : i1 to i32
        %sign3A_63 = arith.constant 0 : i32
        %sign3A_64 = arith.cmpi slt, %jit3A, %sign3A_63 : i32
        %sign3A_65 = arith.extui %sign3A_64 : i1 to i32
        %sign3A_66 = arith.subi %sign3A_62, %sign3A_65 : i32
        %ne3A = vector.broadcast %sign3A_66 : i32 to vector<16xi32>
        %ne3A_67 = arith.cmpi ne, %sign3A_59, %ne3A : vector<16xi32>
        %rem3A = vector.broadcast %jit3A : i32 to vector<16xi32>
        %rem3A_68 = arith.remsi %add3A_50, %rem3A : vector<16xi32>
        %ne3A_69 = arith.constant 0 : i32
        %ne3A_70 = vector.broadcast %ne3A_69 : i32 to vector<16xi32>
        %ne3A_71 = arith.cmpi ne, %rem3A_68, %ne3A_70 : vector<16xi32>
        %and3A = arith.andi %ne3A_67, %ne3A_71 : vector<16xi1>
        %sub3A = arith.constant 1 : i32
        %sub3A_72 = vector.broadcast %sub3A : i32 to vector<16xi32>
        %sub3A_73 = arith.subi %div3A_51, %sub3A_72 : vector<16xi32>
        %select_n3A = arith.select %and3A, %sub3A_73, %div3A_51 : vector<16xi1>, vector<16xi32>
        %mul3A_74 = arith.constant 2048 : i32
        %mul3A_75 = vector.broadcast %mul3A_74 : i32 to vector<16xi32>
        %mul3A_76 = arith.muli %select_n3A, %mul3A_75 : vector<16xi32>
        %sub3A_77 = arith.subi %add3A_50, %mul3A_76 : vector<16xi32>
        %mul3A_78 = arith.constant 3 : i32
        %mul3A_79 = vector.broadcast %mul3A_78 : i32 to vector<16xi32>
        %mul3A_80 = arith.muli %sub3A_77, %mul3A_79 : vector<16xi32>
        %add3A_81 = arith.addi %mul3A_80, %select_n3A : vector<16xi32>
        tpu.vector_store_idx %arg17[%add3A_81], %mul3A_45 : memref<6144xf32, #tpu.memory_space<vmem>>[vector<16xi32>], vector<16xf32>,
        %scan3A_82 = arith.constant 0 : i32
        scf.yield %scan3A_82 : i32
      }
      %scan3A_34 = arith.constant 384 : i32
      "tpu.region"() ({
        %run_scoped3A = tpu.sem_alloc : memref<!tpu.dma_semaphore, #tpu.memory_space<semaphore_mem>>
        %dma_start3A = arith.constant 0 : i32
        %dma_start3A_35 = tpu.memref_slice %arg9[%add3A, %dma_start3A] : memref<4x6144xf32, #tpu.memory_space<hbm>> -> memref<1x6144xf32, #tpu.memory_space<hbm>>
        %dma_start3A_36 = tpu.memref_squeeze %dma_start3A_35 : memref<1x6144xf32, #tpu.memory_space<hbm>> -> memref<6144xf32, #tpu.memory_space<hbm>>
        %dma_start3A_37 = arith.constant 0 : i32
        %dma_start3A_38 = tpu.memref_slice %arg9[%add3A, %dma_start3A_37] : memref<4x6144xf32, #tpu.memory_space<hbm>> -> memref<1x6144xf32, #tpu.memory_space<hbm>>
        %dma_start3A_39 = tpu.memref_squeeze %dma_start3A_38 : memref<1x6144xf32, #tpu.memory_space<hbm>> -> memref<6144xf32, #tpu.memory_space<hbm>>
        tpu.enqueue_dma source(%arg17 : memref<6144xf32, #tpu.memory_space<vmem>>) target(%dma_start3A_39 : memref<6144xf32, #tpu.memory_space<hbm>>) target_semaphore(%run_scoped3A : memref<!tpu.dma_semaphore, #tpu.memory_space<semaphore_mem>>)
        %dma_wait3A = arith.constant 0 : i32
        %dma_wait3A_40 = tpu.memref_slice %arg9[%add3A, %dma_wait3A] : memref<4x6144xf32, #tpu.memory_space<hbm>> -> memref<1x6144xf32, #tpu.memory_space<hbm>>
        %dma_wait3A_41 = tpu.memref_squeeze %dma_wait3A_40 : memref<1x6144xf32, #tpu.memory_space<hbm>> -> memref<6144xf32, #tpu.memory_space<hbm>>
        %dma_wait3A_42 = arith.constant 0 : i32
        %dma_wait3A_43 = tpu.memref_slice %arg9[%add3A, %dma_wait3A_42] : memref<4x6144xf32, #tpu.memory_space<hbm>> -> memref<1x6144xf32, #tpu.memory_space<hbm>>
        %dma_wait3A_44 = tpu.memref_squeeze %dma_wait3A_43 : memref<1x6144xf32, #tpu.memory_space<hbm>> -> memref<6144xf32, #tpu.memory_space<hbm>>
        tpu.wait_dma2 semaphore(%run_scoped3A : memref<!tpu.dma_semaphore, #tpu.memory_space<semaphore_mem>>) src(%arg17 : memref<6144xf32, #tpu.memory_space<vmem>>) dst(%dma_wait3A_44 : memref<6144xf32, #tpu.memory_space<hbm>>)
        tpu.yield
      }) : () -> ()
      "tpu.region"() ({
        %run_scoped3A = tpu.sem_alloc : memref<!tpu.dma_semaphore, #tpu.memory_space<semaphore_mem>>
        %dma_start3A = arith.constant 0 : i32
        %dma_start3A_35 = tpu.memref_slice %arg10[%add3A, %dma_start3A] : memref<4x6144xf32, #tpu.memory_space<hbm>> -> memref<1x6144xf32, #tpu.memory_space<hbm>>
        %dma_start3A_36 = tpu.memref_squeeze %dma_start3A_35 : memref<1x6144xf32, #tpu.memory_space<hbm>> -> memref<6144xf32, #tpu.memory_space<hbm>>
        %dma_start3A_37 = arith.constant 0 : i32
        %dma_start3A_38 = tpu.memref_slice %arg10[%add3A, %dma_start3A_37] : memref<4x6144xf32, #tpu.memory_space<hbm>> -> memref<1x6144xf32, #tpu.memory_space<hbm>>
        %dma_start3A_39 = tpu.memref_squeeze %dma_start3A_38 : memref<1x6144xf32, #tpu.memory_space<hbm>> -> memref<6144xf32, #tpu.memory_space<hbm>>
        tpu.enqueue_dma source(%arg15 : memref<6144xf32, #tpu.memory_space<vmem>>) target(%dma_start3A_39 : memref<6144xf32, #tpu.memory_space<hbm>>) target_semaphore(%run_scoped3A : memref<!tpu.dma_semaphore, #tpu.memory_space<semaphore_mem>>)
        %dma_wait3A = arith.constant 0 : i32
        %dma_wait3A_40 = tpu.memref_slice %arg10[%add3A, %dma_wait3A] : memref<4x6144xf32, #tpu.memory_space<hbm>> -> memref<1x6144xf32, #tpu.memory_space<hbm>>
        %dma_wait3A_41 = tpu.memref_squeeze %dma_wait3A_40 : memref<1x6144xf32, #tpu.memory_space<hbm>> -> memref<6144xf32, #tpu.memory_space<hbm>>
        %dma_wait3A_42 = arith.constant 0 : i32
        %dma_wait3A_43 = tpu.memref_slice %arg10[%add3A, %dma_wait3A_42] : memref<4x6144xf32, #tpu.memory_space<hbm>> -> memref<1x6144xf32, #tpu.memory_space<hbm>>
        %dma_wait3A_44 = tpu.memref_squeeze %dma_wait3A_43 : memref<1x6144xf32, #tpu.memory_space<hbm>> -> memref<6144xf32, #tpu.memory_space<hbm>>
        tpu.wait_dma2 semaphore(%run_scoped3A : memref<!tpu.dma_semaphore, #tpu.memory_space<semaphore_mem>>) src(%arg15 : memref<6144xf32, #tpu.memory_space<vmem>>) dst(%dma_wait3A_44 : memref<6144xf32, #tpu.memory_space<hbm>>)
        tpu.yield
      }) : () -> ()
    } else {
    }
    return
  }
}

#map = affine_map<(d0, d1) -> (0, 0)>
#map1 = affine_map<(d0, d1) -> (0)>
module attributes {stable_mosaic.version = 14 : i64} {
  func.func @_gather_body(%arg0: i32, %arg1: i32, %arg2: memref<8192x768xf32, #tpu.memory_space<hbm>>, %arg3: memref<8192x768xf32, #tpu.memory_space<hbm>>, %arg4: memref<8192x768xf32, #tpu.memory_space<hbm>>, %arg5: memref<2048xi32, #tpu.memory_space<hbm>>, %arg6: memref<2048xi32, #tpu.memory_space<hbm>>, %arg7: memref<4x256xi32, #tpu.memory_space<hbm>>, %arg8: memref<4096x768xf32, #tpu.memory_space<hbm>>, %arg9: memref<1024x768xf32, #tpu.memory_space<hbm>>, %arg10: memref<64xi32, #tpu.memory_space<vmem>>, %arg11: memref<64xi32, #tpu.memory_space<vmem>>, %arg12: memref<32xi32, #tpu.memory_space<vmem>>, %arg13: memref<64x768xf32, #tpu.memory_space<vmem>>, %arg14: memref<64x768xf32, #tpu.memory_space<vmem>>, %arg15: memref<32x768xf32, #tpu.memory_space<vmem>>, %arg16: memref<!tpu.dma_semaphore, #tpu.memory_space<semaphore_mem>>, %arg17: memref<!tpu.dma_semaphore, #tpu.memory_space<semaphore_mem>>, %arg18: memref<!tpu.dma_semaphore, #tpu.memory_space<semaphore_mem>>) attributes {dimension_semantics = [#tpu.dimension_semantics<core_parallel>, #tpu.dimension_semantics<subcore_parallel>], iteration_bounds = array<i64: 2, 16>, scalar_prefetch = 0 : i64, scratch_operands = 9 : i64, tpu.core_type = #tpu.core_type<sc_vector_subcore>, window_params = [{transform_indices = #map}, {transform_indices = #map}, {transform_indices = #map}, {transform_indices = #map1}, {transform_indices = #map1}, {transform_indices = #map}, {transform_indices = #map}, {transform_indices = #map}]} {
    %mul3A = arith.constant 2 : i32
    %mul3A_0 = arith.muli %arg1, %mul3A : i32
    %add3A = arith.addi %mul3A_0, %arg0 : i32
    %jit3A = arith.constant 8 : i32
    %div3A = arith.divsi %add3A, %jit3A : i32
    %sign3A = arith.constant 0 : i32
    %sign3A_1 = arith.cmpi sgt, %add3A, %sign3A : i32
    %sign3A_2 = arith.extui %sign3A_1 : i1 to i32
    %sign3A_3 = arith.constant 0 : i32
    %sign3A_4 = arith.cmpi slt, %add3A, %sign3A_3 : i32
    %sign3A_5 = arith.extui %sign3A_4 : i1 to i32
    %sign3A_6 = arith.subi %sign3A_2, %sign3A_5 : i32
    %sign3A_7 = arith.constant 0 : i32
    %sign3A_8 = arith.cmpi sgt, %jit3A, %sign3A_7 : i32
    %sign3A_9 = arith.extui %sign3A_8 : i1 to i32
    %sign3A_10 = arith.constant 0 : i32
    %sign3A_11 = arith.cmpi slt, %jit3A, %sign3A_10 : i32
    %sign3A_12 = arith.extui %sign3A_11 : i1 to i32
    %sign3A_13 = arith.subi %sign3A_9, %sign3A_12 : i32
    %ne3A = arith.cmpi ne, %sign3A_6, %sign3A_13 : i32
    %rem3A = arith.remsi %add3A, %jit3A : i32
    %ne3A_14 = arith.constant 0 : i32
    %ne3A_15 = arith.cmpi ne, %rem3A, %ne3A_14 : i32
    %and3A = arith.andi %ne3A, %ne3A_15 : i1
    %sub3A = arith.constant 1 : i32
    %sub3A_16 = arith.subi %div3A, %sub3A : i32
    %select_n3A = arith.select %and3A, %sub3A_16, %div3A : i32
    %jit3A_17 = arith.constant 8 : i32
    %eq3A = arith.constant 0 : i32
    %eq3A_18 = arith.cmpi eq, %jit3A_17, %eq3A : i32
    %jit3A_19 = arith.constant 1 : i32
    %select_n3A_20 = arith.select %eq3A_18, %jit3A_19, %jit3A_17 : i32
    %rem3A_21 = arith.remsi %add3A, %select_n3A_20 : i32
    %ne3A_22 = arith.constant 0 : i32
    %ne3A_23 = arith.cmpi ne, %rem3A_21, %ne3A_22 : i32
    %lt3A = arith.constant 0 : i32
    %lt3A_24 = arith.cmpi slt, %rem3A_21, %lt3A : i32
    %lt3A_25 = arith.constant 0 : i32
    %lt3A_26 = arith.cmpi slt, %select_n3A_20, %lt3A_25 : i32
    %ne3A_27 = arith.xori %lt3A_24, %lt3A_26 : i1
    %and3A_28 = arith.andi %ne3A_27, %ne3A_23 : i1
    %add3A_29 = arith.addi %rem3A_21, %select_n3A_20 : i32
    %select_n3A_30 = arith.select %and3A_28, %add3A_29, %rem3A_21 : i32
    %mul3A_31 = arith.constant 512 : i32
    %mul3A_32 = arith.muli %select_n3A, %mul3A_31 : i32
    %mul3A_33 = arith.constant 64 : i32
    %mul3A_34 = arith.muli %select_n3A_30, %mul3A_33 : i32
    %add3A_35 = arith.addi %mul3A_32, %mul3A_34 : i32
    %mul3A_36 = arith.constant 2048 : i32
    %mul3A_37 = arith.muli %select_n3A, %mul3A_36 : i32
    "tpu.region"() ({
      %run_scoped3A = tpu.sem_alloc : memref<!tpu.dma_semaphore, #tpu.memory_space<semaphore_mem>>
      %dma_start3A_161 = tpu.memref_slice %arg5[%add3A_35] : memref<2048xi32, #tpu.memory_space<hbm>> -> memref<64xi32, #tpu.memory_space<hbm>>
      %dma_start3A_162 = tpu.memref_slice %arg5[%add3A_35] : memref<2048xi32, #tpu.memory_space<hbm>> -> memref<64xi32, #tpu.memory_space<hbm>>
      tpu.enqueue_dma source(%dma_start3A_162 : memref<64xi32, #tpu.memory_space<hbm>>) target(%arg10 : memref<64xi32, #tpu.memory_space<vmem>>) target_semaphore(%run_scoped3A : memref<!tpu.dma_semaphore, #tpu.memory_space<semaphore_mem>>)
      %dma_wait3A_163 = tpu.memref_slice %arg5[%add3A_35] : memref<2048xi32, #tpu.memory_space<hbm>> -> memref<64xi32, #tpu.memory_space<hbm>>
      %dma_wait3A_164 = tpu.memref_slice %arg5[%add3A_35] : memref<2048xi32, #tpu.memory_space<hbm>> -> memref<64xi32, #tpu.memory_space<hbm>>
      tpu.wait_dma2 semaphore(%run_scoped3A : memref<!tpu.dma_semaphore, #tpu.memory_space<semaphore_mem>>) src(%dma_wait3A_164 : memref<64xi32, #tpu.memory_space<hbm>>) dst(%arg10 : memref<64xi32, #tpu.memory_space<vmem>>)
      tpu.yield
    }) : () -> ()
    "tpu.region"() ({
      %run_scoped3A = tpu.sem_alloc : memref<!tpu.dma_semaphore, #tpu.memory_space<semaphore_mem>>
      %dma_start3A_161 = tpu.memref_slice %arg6[%add3A_35] : memref<2048xi32, #tpu.memory_space<hbm>> -> memref<64xi32, #tpu.memory_space<hbm>>
      %dma_start3A_162 = tpu.memref_slice %arg6[%add3A_35] : memref<2048xi32, #tpu.memory_space<hbm>> -> memref<64xi32, #tpu.memory_space<hbm>>
      tpu.enqueue_dma source(%dma_start3A_162 : memref<64xi32, #tpu.memory_space<hbm>>) target(%arg11 : memref<64xi32, #tpu.memory_space<vmem>>) target_semaphore(%run_scoped3A : memref<!tpu.dma_semaphore, #tpu.memory_space<semaphore_mem>>)
      %dma_wait3A_163 = tpu.memref_slice %arg6[%add3A_35] : memref<2048xi32, #tpu.memory_space<hbm>> -> memref<64xi32, #tpu.memory_space<hbm>>
      %dma_wait3A_164 = tpu.memref_slice %arg6[%add3A_35] : memref<2048xi32, #tpu.memory_space<hbm>> -> memref<64xi32, #tpu.memory_space<hbm>>
      tpu.wait_dma2 semaphore(%run_scoped3A : memref<!tpu.dma_semaphore, #tpu.memory_space<semaphore_mem>>) src(%dma_wait3A_164 : memref<64xi32, #tpu.memory_space<hbm>>) dst(%arg11 : memref<64xi32, #tpu.memory_space<vmem>>)
      tpu.yield
    }) : () -> ()
    %mul3A_38 = arith.constant 32 : i32
    %mul3A_39 = arith.muli %select_n3A_30, %mul3A_38 : i32
    "tpu.region"() ({
      %run_scoped3A = tpu.sem_alloc : memref<!tpu.dma_semaphore, #tpu.memory_space<semaphore_mem>>
      %dma_start3A_161 = tpu.memref_slice %arg7[%select_n3A, %mul3A_39] : memref<4x256xi32, #tpu.memory_space<hbm>> -> memref<1x32xi32, #tpu.memory_space<hbm>>
      %dma_start3A_162 = tpu.memref_squeeze %dma_start3A_161 : memref<1x32xi32, #tpu.memory_space<hbm>> -> memref<32xi32, #tpu.memory_space<hbm>>
      %dma_start3A_163 = tpu.memref_slice %arg7[%select_n3A, %mul3A_39] : memref<4x256xi32, #tpu.memory_space<hbm>> -> memref<1x32xi32, #tpu.memory_space<hbm>>
      %dma_start3A_164 = tpu.memref_squeeze %dma_start3A_163 : memref<1x32xi32, #tpu.memory_space<hbm>> -> memref<32xi32, #tpu.memory_space<hbm>>
      tpu.enqueue_dma source(%dma_start3A_164 : memref<32xi32, #tpu.memory_space<hbm>>) target(%arg12 : memref<32xi32, #tpu.memory_space<vmem>>) target_semaphore(%run_scoped3A : memref<!tpu.dma_semaphore, #tpu.memory_space<semaphore_mem>>)
      %dma_wait3A_165 = tpu.memref_slice %arg7[%select_n3A, %mul3A_39] : memref<4x256xi32, #tpu.memory_space<hbm>> -> memref<1x32xi32, #tpu.memory_space<hbm>>
      %dma_wait3A_166 = tpu.memref_squeeze %dma_wait3A_165 : memref<1x32xi32, #tpu.memory_space<hbm>> -> memref<32xi32, #tpu.memory_space<hbm>>
      %dma_wait3A_167 = tpu.memref_slice %arg7[%select_n3A, %mul3A_39] : memref<4x256xi32, #tpu.memory_space<hbm>> -> memref<1x32xi32, #tpu.memory_space<hbm>>
      %dma_wait3A_168 = tpu.memref_squeeze %dma_wait3A_167 : memref<1x32xi32, #tpu.memory_space<hbm>> -> memref<32xi32, #tpu.memory_space<hbm>>
      tpu.wait_dma2 semaphore(%run_scoped3A : memref<!tpu.dma_semaphore, #tpu.memory_space<semaphore_mem>>) src(%dma_wait3A_168 : memref<32xi32, #tpu.memory_space<hbm>>) dst(%arg12 : memref<32xi32, #tpu.memory_space<vmem>>)
      tpu.yield
    }) : () -> ()
    %get3A = arith.constant 0 : index
    %get3A_40 = tpu.vector_load %arg10[%get3A] {strides = array<i32>} : memref<64xi32, #tpu.memory_space<vmem>>, vector<16xi32>,
    %get3A_41 = vector.shape_cast %get3A_40 : vector<16xi32> to vector<16xi32>
    %add3A_42 = vector.broadcast %mul3A_37 : i32 to vector<16xi32>
    %add3A_43 = arith.addi %get3A_41, %add3A_42 : vector<16xi32>
    %swap3A = arith.constant 0 : index
    %swap3A_44 = tpu.vector_load %arg10[%swap3A] {strides = array<i32>} : memref<64xi32, #tpu.memory_space<vmem>>, vector<16xi32>,
    %swap3A_45 = vector.shape_cast %swap3A_44 : vector<16xi32> to vector<16xi32>
    %swap3A_46 = vector.shape_cast %add3A_43 : vector<16xi32> to vector<16xi32>
    tpu.vector_store %arg10[%swap3A], %swap3A_46 {strides = array<i32>} : memref<64xi32, #tpu.memory_space<vmem>>, vector<16xi32>,
    %get3A_47 = arith.constant 0 : index
    %get3A_48 = tpu.vector_load %arg11[%get3A_47] {strides = array<i32>} : memref<64xi32, #tpu.memory_space<vmem>>, vector<16xi32>,
    %get3A_49 = vector.shape_cast %get3A_48 : vector<16xi32> to vector<16xi32>
    %add3A_50 = vector.broadcast %mul3A_37 : i32 to vector<16xi32>
    %add3A_51 = arith.addi %get3A_49, %add3A_50 : vector<16xi32>
    %swap3A_52 = arith.constant 0 : index
    %swap3A_53 = tpu.vector_load %arg11[%swap3A_52] {strides = array<i32>} : memref<64xi32, #tpu.memory_space<vmem>>, vector<16xi32>,
    %swap3A_54 = vector.shape_cast %swap3A_53 : vector<16xi32> to vector<16xi32>
    %swap3A_55 = vector.shape_cast %add3A_51 : vector<16xi32> to vector<16xi32>
    tpu.vector_store %arg11[%swap3A_52], %swap3A_55 {strides = array<i32>} : memref<64xi32, #tpu.memory_space<vmem>>, vector<16xi32>,
    %get3A_56 = arith.constant 16 : index
    %get3A_57 = tpu.vector_load %arg10[%get3A_56] {strides = array<i32>} : memref<64xi32, #tpu.memory_space<vmem>>, vector<16xi32>,
    %get3A_58 = vector.shape_cast %get3A_57 : vector<16xi32> to vector<16xi32>
    %add3A_59 = vector.broadcast %mul3A_37 : i32 to vector<16xi32>
    %add3A_60 = arith.addi %get3A_58, %add3A_59 : vector<16xi32>
    %swap3A_61 = arith.constant 16 : index
    %swap3A_62 = tpu.vector_load %arg10[%swap3A_61] {strides = array<i32>} : memref<64xi32, #tpu.memory_space<vmem>>, vector<16xi32>,
    %swap3A_63 = vector.shape_cast %swap3A_62 : vector<16xi32> to vector<16xi32>
    %swap3A_64 = vector.shape_cast %add3A_60 : vector<16xi32> to vector<16xi32>
    tpu.vector_store %arg10[%swap3A_61], %swap3A_64 {strides = array<i32>} : memref<64xi32, #tpu.memory_space<vmem>>, vector<16xi32>,
    %get3A_65 = arith.constant 16 : index
    %get3A_66 = tpu.vector_load %arg11[%get3A_65] {strides = array<i32>} : memref<64xi32, #tpu.memory_space<vmem>>, vector<16xi32>,
    %get3A_67 = vector.shape_cast %get3A_66 : vector<16xi32> to vector<16xi32>
    %add3A_68 = vector.broadcast %mul3A_37 : i32 to vector<16xi32>
    %add3A_69 = arith.addi %get3A_67, %add3A_68 : vector<16xi32>
    %swap3A_70 = arith.constant 16 : index
    %swap3A_71 = tpu.vector_load %arg11[%swap3A_70] {strides = array<i32>} : memref<64xi32, #tpu.memory_space<vmem>>, vector<16xi32>,
    %swap3A_72 = vector.shape_cast %swap3A_71 : vector<16xi32> to vector<16xi32>
    %swap3A_73 = vector.shape_cast %add3A_69 : vector<16xi32> to vector<16xi32>
    tpu.vector_store %arg11[%swap3A_70], %swap3A_73 {strides = array<i32>} : memref<64xi32, #tpu.memory_space<vmem>>, vector<16xi32>,
    %get3A_74 = arith.constant 32 : index
    %get3A_75 = tpu.vector_load %arg10[%get3A_74] {strides = array<i32>} : memref<64xi32, #tpu.memory_space<vmem>>, vector<16xi32>,
    %get3A_76 = vector.shape_cast %get3A_75 : vector<16xi32> to vector<16xi32>
    %add3A_77 = vector.broadcast %mul3A_37 : i32 to vector<16xi32>
    %add3A_78 = arith.addi %get3A_76, %add3A_77 : vector<16xi32>
    %swap3A_79 = arith.constant 32 : index
    %swap3A_80 = tpu.vector_load %arg10[%swap3A_79] {strides = array<i32>} : memref<64xi32, #tpu.memory_space<vmem>>, vector<16xi32>,
    %swap3A_81 = vector.shape_cast %swap3A_80 : vector<16xi32> to vector<16xi32>
    %swap3A_82 = vector.shape_cast %add3A_78 : vector<16xi32> to vector<16xi32>
    tpu.vector_store %arg10[%swap3A_79], %swap3A_82 {strides = array<i32>} : memref<64xi32, #tpu.memory_space<vmem>>, vector<16xi32>,
    %get3A_83 = arith.constant 32 : index
    %get3A_84 = tpu.vector_load %arg11[%get3A_83] {strides = array<i32>} : memref<64xi32, #tpu.memory_space<vmem>>, vector<16xi32>,
    %get3A_85 = vector.shape_cast %get3A_84 : vector<16xi32> to vector<16xi32>
    %add3A_86 = vector.broadcast %mul3A_37 : i32 to vector<16xi32>
    %add3A_87 = arith.addi %get3A_85, %add3A_86 : vector<16xi32>
    %swap3A_88 = arith.constant 32 : index
    %swap3A_89 = tpu.vector_load %arg11[%swap3A_88] {strides = array<i32>} : memref<64xi32, #tpu.memory_space<vmem>>, vector<16xi32>,
    %swap3A_90 = vector.shape_cast %swap3A_89 : vector<16xi32> to vector<16xi32>
    %swap3A_91 = vector.shape_cast %add3A_87 : vector<16xi32> to vector<16xi32>
    tpu.vector_store %arg11[%swap3A_88], %swap3A_91 {strides = array<i32>} : memref<64xi32, #tpu.memory_space<vmem>>, vector<16xi32>,
    %get3A_92 = arith.constant 48 : index
    %get3A_93 = tpu.vector_load %arg10[%get3A_92] {strides = array<i32>} : memref<64xi32, #tpu.memory_space<vmem>>, vector<16xi32>,
    %get3A_94 = vector.shape_cast %get3A_93 : vector<16xi32> to vector<16xi32>
    %add3A_95 = vector.broadcast %mul3A_37 : i32 to vector<16xi32>
    %add3A_96 = arith.addi %get3A_94, %add3A_95 : vector<16xi32>
    %swap3A_97 = arith.constant 48 : index
    %swap3A_98 = tpu.vector_load %arg10[%swap3A_97] {strides = array<i32>} : memref<64xi32, #tpu.memory_space<vmem>>, vector<16xi32>,
    %swap3A_99 = vector.shape_cast %swap3A_98 : vector<16xi32> to vector<16xi32>
    %swap3A_100 = vector.shape_cast %add3A_96 : vector<16xi32> to vector<16xi32>
    tpu.vector_store %arg10[%swap3A_97], %swap3A_100 {strides = array<i32>} : memref<64xi32, #tpu.memory_space<vmem>>, vector<16xi32>,
    %get3A_101 = arith.constant 48 : index
    %get3A_102 = tpu.vector_load %arg11[%get3A_101] {strides = array<i32>} : memref<64xi32, #tpu.memory_space<vmem>>, vector<16xi32>,
    %get3A_103 = vector.shape_cast %get3A_102 : vector<16xi32> to vector<16xi32>
    %add3A_104 = vector.broadcast %mul3A_37 : i32 to vector<16xi32>
    %add3A_105 = arith.addi %get3A_103, %add3A_104 : vector<16xi32>
    %swap3A_106 = arith.constant 48 : index
    %swap3A_107 = tpu.vector_load %arg11[%swap3A_106] {strides = array<i32>} : memref<64xi32, #tpu.memory_space<vmem>>, vector<16xi32>,
    %swap3A_108 = vector.shape_cast %swap3A_107 : vector<16xi32> to vector<16xi32>
    %swap3A_109 = vector.shape_cast %add3A_105 : vector<16xi32> to vector<16xi32>
    tpu.vector_store %arg11[%swap3A_106], %swap3A_109 {strides = array<i32>} : memref<64xi32, #tpu.memory_space<vmem>>, vector<16xi32>,
    %get3A_110 = arith.constant 0 : index
    %get3A_111 = tpu.vector_load %arg12[%get3A_110] {strides = array<i32>} : memref<32xi32, #tpu.memory_space<vmem>>, vector<16xi32>,
    %get3A_112 = vector.shape_cast %get3A_111 : vector<16xi32> to vector<16xi32>
    %add3A_113 = vector.broadcast %mul3A_37 : i32 to vector<16xi32>
    %add3A_114 = arith.addi %get3A_112, %add3A_113 : vector<16xi32>
    %swap3A_115 = arith.constant 0 : index
    %swap3A_116 = tpu.vector_load %arg12[%swap3A_115] {strides = array<i32>} : memref<32xi32, #tpu.memory_space<vmem>>, vector<16xi32>,
    %swap3A_117 = vector.shape_cast %swap3A_116 : vector<16xi32> to vector<16xi32>
    %swap3A_118 = vector.shape_cast %add3A_114 : vector<16xi32> to vector<16xi32>
    tpu.vector_store %arg12[%swap3A_115], %swap3A_118 {strides = array<i32>} : memref<32xi32, #tpu.memory_space<vmem>>, vector<16xi32>,
    %get3A_119 = arith.constant 16 : index
    %get3A_120 = tpu.vector_load %arg12[%get3A_119] {strides = array<i32>} : memref<32xi32, #tpu.memory_space<vmem>>, vector<16xi32>,
    %get3A_121 = vector.shape_cast %get3A_120 : vector<16xi32> to vector<16xi32>
    %add3A_122 = vector.broadcast %mul3A_37 : i32 to vector<16xi32>
    %add3A_123 = arith.addi %get3A_121, %add3A_122 : vector<16xi32>
    %swap3A_124 = arith.constant 16 : index
    %swap3A_125 = tpu.vector_load %arg12[%swap3A_124] {strides = array<i32>} : memref<32xi32, #tpu.memory_space<vmem>>, vector<16xi32>,
    %swap3A_126 = vector.shape_cast %swap3A_125 : vector<16xi32> to vector<16xi32>
    %swap3A_127 = vector.shape_cast %add3A_123 : vector<16xi32> to vector<16xi32>
    tpu.vector_store %arg12[%swap3A_124], %swap3A_127 {strides = array<i32>} : memref<32xi32, #tpu.memory_space<vmem>>, vector<16xi32>,
    %dma_start3A = arith.constant 0 : i32
    %dma_start3A_128 = arith.constant 0 : i32
    %dma_start3A_129 = tpu.memref_slice %arg2[%dma_start3A, %dma_start3A_128] : memref<8192x768xf32, #tpu.memory_space<hbm>> -> memref<8192x768xf32, #tpu.memory_space<hbm>>
    tpu.enqueue_indirect_dma source(%dma_start3A_129 : memref<8192x768xf32, #tpu.memory_space<hbm>>) target(%arg13 : memref<64x768xf32, #tpu.memory_space<vmem>>) offsets(%arg10 : memref<64xi32, #tpu.memory_space<vmem>>) semaphore(%arg16 : memref<!tpu.dma_semaphore, #tpu.memory_space<semaphore_mem>>)
    %dma_start3A_130 = arith.constant 0 : i32
    %dma_start3A_131 = arith.constant 0 : i32
    %dma_start3A_132 = tpu.memref_slice %arg3[%dma_start3A_130, %dma_start3A_131] : memref<8192x768xf32, #tpu.memory_space<hbm>> -> memref<8192x768xf32, #tpu.memory_space<hbm>>
    tpu.enqueue_indirect_dma source(%dma_start3A_132 : memref<8192x768xf32, #tpu.memory_space<hbm>>) target(%arg14 : memref<64x768xf32, #tpu.memory_space<vmem>>) offsets(%arg11 : memref<64xi32, #tpu.memory_space<vmem>>) semaphore(%arg17 : memref<!tpu.dma_semaphore, #tpu.memory_space<semaphore_mem>>)
    %dma_start3A_133 = arith.constant 0 : i32
    %dma_start3A_134 = arith.constant 0 : i32
    %dma_start3A_135 = tpu.memref_slice %arg4[%dma_start3A_133, %dma_start3A_134] : memref<8192x768xf32, #tpu.memory_space<hbm>> -> memref<8192x768xf32, #tpu.memory_space<hbm>>
    tpu.enqueue_indirect_dma source(%dma_start3A_135 : memref<8192x768xf32, #tpu.memory_space<hbm>>) target(%arg15 : memref<32x768xf32, #tpu.memory_space<vmem>>) offsets(%arg12 : memref<32xi32, #tpu.memory_space<vmem>>) semaphore(%arg18 : memref<!tpu.dma_semaphore, #tpu.memory_space<semaphore_mem>>)
    %dma_wait3A = arith.constant 0 : i32
    %dma_wait3A_136 = arith.constant 0 : i32
    %dma_wait3A_137 = tpu.memref_slice %arg2[%dma_wait3A, %dma_wait3A_136] : memref<8192x768xf32, #tpu.memory_space<hbm>> -> memref<8192x768xf32, #tpu.memory_space<hbm>>
    tpu.wait_indirect_dma semaphore(%arg16 : memref<!tpu.dma_semaphore, #tpu.memory_space<semaphore_mem>>) src(%dma_wait3A_137 : memref<8192x768xf32, #tpu.memory_space<hbm>>) dst(%arg13 : memref<64x768xf32, #tpu.memory_space<vmem>>)
    %mul3A_138 = arith.constant 1024 : i32
    %mul3A_139 = arith.muli %select_n3A, %mul3A_138 : i32
    %mul3A_140 = arith.constant 64 : i32
    %mul3A_141 = arith.muli %select_n3A_30, %mul3A_140 : i32
    %add3A_142 = arith.addi %mul3A_139, %mul3A_141 : i32
    "tpu.region"() ({
      %run_scoped3A = tpu.sem_alloc : memref<!tpu.dma_semaphore, #tpu.memory_space<semaphore_mem>>
      %dma_start3A_161 = arith.constant 0 : i32
      %dma_start3A_162 = tpu.memref_slice %arg8[%add3A_142, %dma_start3A_161] : memref<4096x768xf32, #tpu.memory_space<hbm>> -> memref<64x768xf32, #tpu.memory_space<hbm>>
      %dma_start3A_163 = arith.constant 0 : i32
      %dma_start3A_164 = tpu.memref_slice %arg8[%add3A_142, %dma_start3A_163] : memref<4096x768xf32, #tpu.memory_space<hbm>> -> memref<64x768xf32, #tpu.memory_space<hbm>>
      tpu.enqueue_dma source(%arg13 : memref<64x768xf32, #tpu.memory_space<vmem>>) target(%dma_start3A_164 : memref<64x768xf32, #tpu.memory_space<hbm>>) target_semaphore(%run_scoped3A : memref<!tpu.dma_semaphore, #tpu.memory_space<semaphore_mem>>)
      %dma_wait3A_165 = arith.constant 0 : i32
      %dma_wait3A_166 = tpu.memref_slice %arg8[%add3A_142, %dma_wait3A_165] : memref<4096x768xf32, #tpu.memory_space<hbm>> -> memref<64x768xf32, #tpu.memory_space<hbm>>
      %dma_wait3A_167 = arith.constant 0 : i32
      %dma_wait3A_168 = tpu.memref_slice %arg8[%add3A_142, %dma_wait3A_167] : memref<4096x768xf32, #tpu.memory_space<hbm>> -> memref<64x768xf32, #tpu.memory_space<hbm>>
      tpu.wait_dma2 semaphore(%run_scoped3A : memref<!tpu.dma_semaphore, #tpu.memory_space<semaphore_mem>>) src(%arg13 : memref<64x768xf32, #tpu.memory_space<vmem>>) dst(%dma_wait3A_168 : memref<64x768xf32, #tpu.memory_space<hbm>>)
      tpu.yield
    }) : () -> ()
    %dma_wait3A_143 = arith.constant 0 : i32
    %dma_wait3A_144 = arith.constant 0 : i32
    %dma_wait3A_145 = tpu.memref_slice %arg3[%dma_wait3A_143, %dma_wait3A_144] : memref<8192x768xf32, #tpu.memory_space<hbm>> -> memref<8192x768xf32, #tpu.memory_space<hbm>>
    tpu.wait_indirect_dma semaphore(%arg17 : memref<!tpu.dma_semaphore, #tpu.memory_space<semaphore_mem>>) src(%dma_wait3A_145 : memref<8192x768xf32, #tpu.memory_space<hbm>>) dst(%arg14 : memref<64x768xf32, #tpu.memory_space<vmem>>)
    %mul3A_146 = arith.constant 1024 : i32
    %mul3A_147 = arith.muli %select_n3A, %mul3A_146 : i32
    %add3A_148 = arith.constant 512 : i32
    %add3A_149 = arith.addi %mul3A_147, %add3A_148 : i32
    %mul3A_150 = arith.constant 64 : i32
    %mul3A_151 = arith.muli %select_n3A_30, %mul3A_150 : i32
    %add3A_152 = arith.addi %add3A_149, %mul3A_151 : i32
    "tpu.region"() ({
      %run_scoped3A = tpu.sem_alloc : memref<!tpu.dma_semaphore, #tpu.memory_space<semaphore_mem>>
      %dma_start3A_161 = arith.constant 0 : i32
      %dma_start3A_162 = tpu.memref_slice %arg8[%add3A_152, %dma_start3A_161] : memref<4096x768xf32, #tpu.memory_space<hbm>> -> memref<64x768xf32, #tpu.memory_space<hbm>>
      %dma_start3A_163 = arith.constant 0 : i32
      %dma_start3A_164 = tpu.memref_slice %arg8[%add3A_152, %dma_start3A_163] : memref<4096x768xf32, #tpu.memory_space<hbm>> -> memref<64x768xf32, #tpu.memory_space<hbm>>
      tpu.enqueue_dma source(%arg14 : memref<64x768xf32, #tpu.memory_space<vmem>>) target(%dma_start3A_164 : memref<64x768xf32, #tpu.memory_space<hbm>>) target_semaphore(%run_scoped3A : memref<!tpu.dma_semaphore, #tpu.memory_space<semaphore_mem>>)
      %dma_wait3A_165 = arith.constant 0 : i32
      %dma_wait3A_166 = tpu.memref_slice %arg8[%add3A_152, %dma_wait3A_165] : memref<4096x768xf32, #tpu.memory_space<hbm>> -> memref<64x768xf32, #tpu.memory_space<hbm>>
      %dma_wait3A_167 = arith.constant 0 : i32
      %dma_wait3A_168 = tpu.memref_slice %arg8[%add3A_152, %dma_wait3A_167] : memref<4096x768xf32, #tpu.memory_space<hbm>> -> memref<64x768xf32, #tpu.memory_space<hbm>>
      tpu.wait_dma2 semaphore(%run_scoped3A : memref<!tpu.dma_semaphore, #tpu.memory_space<semaphore_mem>>) src(%arg14 : memref<64x768xf32, #tpu.memory_space<vmem>>) dst(%dma_wait3A_168 : memref<64x768xf32, #tpu.memory_space<hbm>>)
      tpu.yield
    }) : () -> ()
    %dma_wait3A_153 = arith.constant 0 : i32
    %dma_wait3A_154 = arith.constant 0 : i32
    %dma_wait3A_155 = tpu.memref_slice %arg4[%dma_wait3A_153, %dma_wait3A_154] : memref<8192x768xf32, #tpu.memory_space<hbm>> -> memref<8192x768xf32, #tpu.memory_space<hbm>>
    tpu.wait_indirect_dma semaphore(%arg18 : memref<!tpu.dma_semaphore, #tpu.memory_space<semaphore_mem>>) src(%dma_wait3A_155 : memref<8192x768xf32, #tpu.memory_space<hbm>>) dst(%arg15 : memref<32x768xf32, #tpu.memory_space<vmem>>)
    %mul3A_156 = arith.constant 256 : i32
    %mul3A_157 = arith.muli %select_n3A, %mul3A_156 : i32
    %mul3A_158 = arith.constant 32 : i32
    %mul3A_159 = arith.muli %select_n3A_30, %mul3A_158 : i32
    %add3A_160 = arith.addi %mul3A_157, %mul3A_159 : i32
    "tpu.region"() ({
      %run_scoped3A = tpu.sem_alloc : memref<!tpu.dma_semaphore, #tpu.memory_space<semaphore_mem>>
      %dma_start3A_161 = arith.constant 0 : i32
      %dma_start3A_162 = tpu.memref_slice %arg9[%add3A_160, %dma_start3A_161] : memref<1024x768xf32, #tpu.memory_space<hbm>> -> memref<32x768xf32, #tpu.memory_space<hbm>>
      %dma_start3A_163 = arith.constant 0 : i32
      %dma_start3A_164 = tpu.memref_slice %arg9[%add3A_160, %dma_start3A_163] : memref<1024x768xf32, #tpu.memory_space<hbm>> -> memref<32x768xf32, #tpu.memory_space<hbm>>
      tpu.enqueue_dma source(%arg15 : memref<32x768xf32, #tpu.memory_space<vmem>>) target(%dma_start3A_164 : memref<32x768xf32, #tpu.memory_space<hbm>>) target_semaphore(%run_scoped3A : memref<!tpu.dma_semaphore, #tpu.memory_space<semaphore_mem>>)
      %dma_wait3A_165 = arith.constant 0 : i32
      %dma_wait3A_166 = tpu.memref_slice %arg9[%add3A_160, %dma_wait3A_165] : memref<1024x768xf32, #tpu.memory_space<hbm>> -> memref<32x768xf32, #tpu.memory_space<hbm>>
      %dma_wait3A_167 = arith.constant 0 : i32
      %dma_wait3A_168 = tpu.memref_slice %arg9[%add3A_160, %dma_wait3A_167] : memref<1024x768xf32, #tpu.memory_space<hbm>> -> memref<32x768xf32, #tpu.memory_space<hbm>>
      tpu.wait_dma2 semaphore(%run_scoped3A : memref<!tpu.dma_semaphore, #tpu.memory_space<semaphore_mem>>) src(%arg15 : memref<32x768xf32, #tpu.memory_space<vmem>>) dst(%dma_wait3A_168 : memref<32x768xf32, #tpu.memory_space<hbm>>)
      tpu.yield
    }) : () -> ()
    return
  }
}

module attributes {stable_mosaic.version = 14 : i64} {
  func.func @_v_body(%arg0: i32, %arg1: i32, %arg2: memref<1x1024x768xf32, #tpu.memory_space<vmem>>, %arg3: memref<1x1024x768xf32, #tpu.memory_space<vmem>>, %arg4: memref<768x3xf32, #tpu.memory_space<vmem>>, %arg5: memref<768x3xf32, #tpu.memory_space<vmem>>, %arg6: memref<1x1024x3xf32, #tpu.memory_space<vmem>>, %arg7: memref<1x1024x3xf32, #tpu.memory_space<vmem>>) attributes {dimension_semantics = [#tpu.dimension_semantics<arbitrary>, #tpu.dimension_semantics<arbitrary>], iteration_bounds = array<i64: 4, 2>, scalar_prefetch = 0 : i64, scratch_operands = 0 : i64, tpu.core_type = #tpu.core_type<tc>, window_params = [{transform_indices = @transform_0, window_bounds = array<i64: 1, 1024, 768>}, {transform_indices = @transform_1, window_bounds = array<i64: 1, 1024, 768>}, {pipeline_mode = #tpu.pipeline_mode<synchronous>, transform_indices = @transform_2, window_bounds = array<i64: 768, 3>}, {pipeline_mode = #tpu.pipeline_mode<synchronous>, transform_indices = @transform_3, window_bounds = array<i64: 768, 3>}, {transform_indices = @transform_4, window_bounds = array<i64: 1, 1024, 3>}, {transform_indices = @transform_5, window_bounds = array<i64: 1, 1024, 3>}]} {
    %get3A = arith.constant 0 : index
    %get3A_0 = arith.constant 0 : index
    %get3A_1 = arith.constant 0 : index
    %get3A_2 = vector.load %arg2[%get3A, %get3A_0, %get3A_1] : memref<1x1024x768xf32, #tpu.memory_space<vmem>>, vector<1x1024x768xf32>
    %get3A_3 = vector.shape_cast %get3A_2 : vector<1x1024x768xf32> to vector<1024x768xf32>
    %get3A_4 = arith.constant 0 : index
    %get3A_5 = arith.constant 0 : index
    %get3A_6 = vector.load %arg4[%get3A_4, %get3A_5] : memref<768x3xf32, #tpu.memory_space<vmem>>, vector<768x3xf32>
    %dot_general3A = arith.constant dense<0.000000e+00> : vector<1024x3xf32>
    %dot_general3A_7 = tpu.matmul %get3A_3, %get3A_6, %dot_general3A {dimension_numbers = #tpu.dot_dimension_numbers<[1], [0], [0], [1], [0, 0, 1, 1], [], []>, transpose_lhs_hint = false} : vector<1024x768xf32>, vector<768x3xf32>, vector<1024x3xf32> -> vector<1024x3xf32>
    %swap3A = arith.constant 0 : index
    %swap3A_8 = arith.constant 0 : index
    %swap3A_9 = arith.constant 0 : index
    %swap3A_10 = vector.load %arg6[%swap3A, %swap3A_8, %swap3A_9] : memref<1x1024x3xf32, #tpu.memory_space<vmem>>, vector<1x1024x3xf32>
    %swap3A_11 = vector.shape_cast %swap3A_10 : vector<1x1024x3xf32> to vector<1024x3xf32>
    %swap3A_12 = vector.shape_cast %dot_general3A_7 : vector<1024x3xf32> to vector<1x1024x3xf32>
    tpu.vector_store %arg6[%swap3A, %swap3A_8, %swap3A_9], %swap3A_12 {strides = array<i32>} : memref<1x1024x3xf32, #tpu.memory_space<vmem>>, vector<1x1024x3xf32>,
    %get3A_13 = arith.constant 0 : index
    %get3A_14 = arith.constant 0 : index
    %get3A_15 = arith.constant 0 : index
    %get3A_16 = vector.load %arg3[%get3A_13, %get3A_14, %get3A_15] : memref<1x1024x768xf32, #tpu.memory_space<vmem>>, vector<1x1024x768xf32>
    %get3A_17 = vector.shape_cast %get3A_16 : vector<1x1024x768xf32> to vector<1024x768xf32>
    %get3A_18 = arith.constant 0 : index
    %get3A_19 = arith.constant 0 : index
    %get3A_20 = vector.load %arg5[%get3A_18, %get3A_19] : memref<768x3xf32, #tpu.memory_space<vmem>>, vector<768x3xf32>
    %dot_general3A_21 = arith.constant dense<0.000000e+00> : vector<1024x3xf32>
    %dot_general3A_22 = tpu.matmul %get3A_17, %get3A_20, %dot_general3A_21 {dimension_numbers = #tpu.dot_dimension_numbers<[1], [0], [0], [1], [0, 0, 1, 1], [], []>, transpose_lhs_hint = false} : vector<1024x768xf32>, vector<768x3xf32>, vector<1024x3xf32> -> vector<1024x3xf32>
    %swap3A_23 = arith.constant 0 : index
    %swap3A_24 = arith.constant 0 : index
    %swap3A_25 = arith.constant 0 : index
    %swap3A_26 = vector.load %arg7[%swap3A_23, %swap3A_24, %swap3A_25] : memref<1x1024x3xf32, #tpu.memory_space<vmem>>, vector<1x1024x3xf32>
    %swap3A_27 = vector.shape_cast %swap3A_26 : vector<1x1024x3xf32> to vector<1024x3xf32>
    %swap3A_28 = vector.shape_cast %dot_general3A_22 : vector<1024x3xf32> to vector<1x1024x3xf32>
    tpu.vector_store %arg7[%swap3A_23, %swap3A_24, %swap3A_25], %swap3A_28 {strides = array<i32>} : memref<1x1024x3xf32, #tpu.memory_space<vmem>>, vector<1x1024x3xf32>,
    return
  }
  func.func @transform_0(%arg0: i32, %arg1: i32) -> (i32, i32, i32) {
    %c0_i32 = arith.constant 0 : i32
    %c0_i32_0 = arith.constant 0 : i32
    return %arg0, %arg1, %c0_i32 : i32, i32, i32
  }
  func.func @transform_1(%arg0: i32, %arg1: i32) -> (i32, i32, i32) {
    %c0_i32 = arith.constant 0 : i32
    %c0_i32_0 = arith.constant 0 : i32
    return %arg0, %arg1, %c0_i32 : i32, i32, i32
  }
  func.func @transform_2(%arg0: i32, %arg1: i32) -> (i32, i32) {
    %c0_i32 = arith.constant 0 : i32
    %c0_i32_0 = arith.constant 0 : i32
    %c0_i32_1 = arith.constant 0 : i32
    return %c0_i32, %c0_i32_0 : i32, i32
  }
  func.func @transform_3(%arg0: i32, %arg1: i32) -> (i32, i32) {
    %c0_i32 = arith.constant 0 : i32
    %c0_i32_0 = arith.constant 0 : i32
    %c0_i32_1 = arith.constant 0 : i32
    return %c0_i32, %c0_i32_0 : i32, i32
  }
  func.func @transform_4(%arg0: i32, %arg1: i32) -> (i32, i32, i32) {
    %c0_i32 = arith.constant 0 : i32
    %c0_i32_0 = arith.constant 0 : i32
    return %arg0, %arg1, %c0_i32 : i32, i32, i32
  }
  func.func @transform_5(%arg0: i32, %arg1: i32) -> (i32, i32, i32) {
    %c0_i32 = arith.constant 0 : i32
    %c0_i32_0 = arith.constant 0 : i32
    return %arg0, %arg1, %c0_i32 : i32, i32, i32
  }
}

module attributes {stable_mosaic.version = 14 : i64} {
  func.func @_argmax_body(%arg0: i32, %arg1: memref<1x256x768xf32, #tpu.memory_space<vmem>>, %arg2: memref<1x256x768xf32, #tpu.memory_space<vmem>>, %arg3: memref<1x256x768xf32, #tpu.memory_space<vmem>>, %arg4: memref<1x768x3xf32, #tpu.memory_space<vmem>>, %arg5: memref<1x1x3xf32, #tpu.memory_space<vmem>>, %arg6: memref<1x256x1xf32, #tpu.memory_space<vmem>>, %arg7: memref<1x1x256xf32, #tpu.memory_space<vmem>>, %arg8: memref<1x256x1xi32, #tpu.memory_space<vmem>>, %arg9: memref<1x256x3xf32, #tpu.memory_space<vmem>>) attributes {dimension_semantics = [#tpu.dimension_semantics<arbitrary>], iteration_bounds = array<i64: 8>, scalar_prefetch = 0 : i64, scratch_operands = 0 : i64, tpu.core_type = #tpu.core_type<tc>, window_params = [{transform_indices = @transform_0, window_bounds = array<i64: 1, 256, 768>}, {transform_indices = @transform_1, window_bounds = array<i64: 1, 256, 768>}, {transform_indices = @transform_2, window_bounds = array<i64: 1, 256, 768>}, {transform_indices = @transform_3, window_bounds = array<i64: 1, 768, 3>}, {transform_indices = @transform_4, window_bounds = array<i64: 1, 1, 3>}, {transform_indices = @transform_5, window_bounds = array<i64: 1, 256, 1>}, {transform_indices = @transform_6, window_bounds = array<i64: 1, 1, 256>}, {transform_indices = @transform_7, window_bounds = array<i64: 1, 256, 1>}, {transform_indices = @transform_8, window_bounds = array<i64: 1, 256, 3>}]} {
    %get3A = arith.constant 0 : index
    %get3A_0 = arith.constant 0 : index
    %get3A_1 = arith.constant 0 : index
    %get3A_2 = vector.load %arg1[%get3A, %get3A_0, %get3A_1] : memref<1x256x768xf32, #tpu.memory_space<vmem>>, vector<1x256x768xf32>
    %get3A_3 = vector.shape_cast %get3A_2 : vector<1x256x768xf32> to vector<256x768xf32>
    %get3A_4 = arith.constant 0 : index
    %get3A_5 = arith.constant 0 : index
    %get3A_6 = arith.constant 0 : index
    %get3A_7 = vector.load %arg2[%get3A_4, %get3A_5, %get3A_6] : memref<1x256x768xf32, #tpu.memory_space<vmem>>, vector<1x256x768xf32>
    %get3A_8 = vector.shape_cast %get3A_7 : vector<1x256x768xf32> to vector<256x768xf32>
    %dot_general3A = arith.constant dense<0.000000e+00> : vector<256x256xf32>
    %dot_general3A_9 = tpu.matmul %get3A_3, %get3A_8, %dot_general3A {dimension_numbers = #tpu.dot_dimension_numbers<[1], [1], [0], [0], [0, 0, 1, 0], [], []>, transpose_lhs_hint = false} : vector<256x768xf32>, vector<256x768xf32>, vector<256x256xf32> -> vector<256x256xf32>
    %div3A = arith.constant 1.000000e+02 : f32
    %div3A_10 = vector.broadcast %div3A : f32 to vector<256x256xf32>
    %div3A_11 = arith.divf %dot_general3A_9, %div3A_10 : vector<256x256xf32>
    %get3A_12 = arith.constant 0 : index
    %get3A_13 = arith.constant 0 : index
    %get3A_14 = arith.constant 0 : index
    %get3A_15 = vector.load %arg6[%get3A_12, %get3A_13, %get3A_14] : memref<1x256x1xf32, #tpu.memory_space<vmem>>, vector<1x256x1xf32>
    %get3A_16 = vector.shape_cast %get3A_15 : vector<1x256x1xf32> to vector<256x1xf32>
    %get3A_17 = arith.constant 0 : index
    %get3A_18 = arith.constant 0 : index
    %get3A_19 = arith.constant 0 : index
    %get3A_20 = vector.load %arg7[%get3A_17, %get3A_18, %get3A_19] : memref<1x1x256xf32, #tpu.memory_space<vmem>>, vector<1x1x256xf32>
    %get3A_21 = vector.shape_cast %get3A_20 : vector<1x1x256xf32> to vector<1x256xf32>
    %broadcast_in_dim3A = vector.shape_cast %get3A_16 : vector<256x1xf32> to vector<256x1xf32>
    %broadcast_in_dim3A_22 = vector.broadcast %broadcast_in_dim3A : vector<256x1xf32> to vector<256x256xf32>
    %broadcast_in_dim3A_23 = vector.shape_cast %get3A_21 : vector<1x256xf32> to vector<1x256xf32>
    %broadcast_in_dim3A_24 = vector.broadcast %broadcast_in_dim3A_23 : vector<1x256xf32> to vector<256x256xf32>
    %ne3A = arith.cmpf one, %broadcast_in_dim3A_22, %broadcast_in_dim3A_24 : vector<256x256xf32>
    %jit3A = arith.constant -3.000000e+38 : f32
    %broadcast_in_dim3A_25 = vector.broadcast %jit3A : f32 to vector<256x256xf32>
    %select_n3A = arith.select %ne3A, %div3A_11, %broadcast_in_dim3A_25 : vector<256x256xi1>, vector<256x256xf32>
    %reduce_max3A = arith.constant dense<0xFF800000> : vector<256xf32>
    %reduce_max3A_26 = vector.multi_reduction <maximumf>, %select_n3A, %reduce_max3A [1] : vector<256x256xf32> to vector<256xf32>
    %broadcast_in_dim3A_27 = vector.shape_cast %reduce_max3A_26 : vector<256xf32> to vector<256x1xf32>
    %eq3A = vector.broadcast %broadcast_in_dim3A_27 : vector<256x1xf32> to vector<256x256xf32>
    %eq3A_28 = arith.cmpf oeq, %select_n3A, %eq3A : vector<256x256xf32>
    %jit3A_29 = arith.constant 1.000000e+09 : f32
    %broadcast_in_dim3A_30 = vector.broadcast %jit3A_29 : f32 to vector<256x256xf32>
    %select_n3A_31 = arith.select %eq3A_28, %broadcast_in_dim3A_24, %broadcast_in_dim3A_30 : vector<256x256xi1>, vector<256x256xf32>
    %reduce_min3A = arith.constant dense<0x7F800000> : vector<256xf32>
    %reduce_min3A_32 = vector.multi_reduction <minimumf>, %select_n3A_31, %reduce_min3A [1] : vector<256x256xf32> to vector<256xf32>
    %broadcast_in_dim3A_33 = vector.shape_cast %reduce_min3A_32 : vector<256xf32> to vector<256x1xf32>
    %gt3A = arith.constant -9.99999968E+37 : f32
    %gt3A_34 = vector.broadcast %gt3A : f32 to vector<256x1xf32>
    %gt3A_35 = arith.cmpf ogt, %broadcast_in_dim3A_27, %gt3A_34 : vector<256x1xf32>
    %jit3A_36 = arith.constant 0.000000e+00 : f32
    %broadcast_in_dim3A_37 = vector.broadcast %jit3A_36 : f32 to vector<256x1xf32>
    %select_n3A_38 = arith.select %gt3A_35, %broadcast_in_dim3A_33, %broadcast_in_dim3A_37 : vector<256x1xi1>, vector<256x1xf32>
    %convert_element_type3A = arith.fptosi %select_n3A_38 : vector<256x1xf32> to vector<256x1xi32>
    %swap3A = arith.constant 0 : index
    %swap3A_39 = arith.constant 0 : index
    %swap3A_40 = arith.constant 0 : index
    %swap3A_41 = vector.load %arg8[%swap3A, %swap3A_39, %swap3A_40] : memref<1x256x1xi32, #tpu.memory_space<vmem>>, vector<1x256x1xi32>
    %swap3A_42 = vector.shape_cast %swap3A_41 : vector<1x256x1xi32> to vector<256x1xi32>
    %swap3A_43 = vector.shape_cast %convert_element_type3A : vector<256x1xi32> to vector<1x256x1xi32>
    tpu.vector_store %arg8[%swap3A, %swap3A_39, %swap3A_40], %swap3A_43 {strides = array<i32>} : memref<1x256x1xi32, #tpu.memory_space<vmem>>, vector<1x256x1xi32>,
    %jit3A_44 = arith.constant 2 : i32
    %eq3A_45 = arith.constant 0 : i32
    %eq3A_46 = arith.cmpi eq, %jit3A_44, %eq3A_45 : i32
    %jit3A_47 = arith.constant 1 : i32
    %select_n3A_48 = arith.select %eq3A_46, %jit3A_47, %jit3A_44 : i32
    %rem3A = arith.remsi %arg0, %select_n3A_48 : i32
    %ne3A_49 = arith.constant 0 : i32
    %ne3A_50 = arith.cmpi ne, %rem3A, %ne3A_49 : i32
    %lt3A = arith.constant 0 : i32
    %lt3A_51 = arith.cmpi slt, %rem3A, %lt3A : i32
    %lt3A_52 = arith.constant 0 : i32
    %lt3A_53 = arith.cmpi slt, %select_n3A_48, %lt3A_52 : i32
    %ne3A_54 = arith.xori %lt3A_51, %lt3A_53 : i1
    %and3A = arith.andi %ne3A_54, %ne3A_50 : i1
    %add3A = arith.addi %rem3A, %select_n3A_48 : i32
    %select_n3A_55 = arith.select %and3A, %add3A, %rem3A : i32
    %eq3A_56 = arith.constant 1 : i32
    %eq3A_57 = arith.cmpi eq, %select_n3A_55, %eq3A_56 : i32
    %get3A_58 = arith.constant 0 : index
    %get3A_59 = arith.constant 0 : index
    %get3A_60 = arith.constant 0 : index
    %get3A_61 = vector.load %arg3[%get3A_58, %get3A_59, %get3A_60] : memref<1x256x768xf32, #tpu.memory_space<vmem>>, vector<1x256x768xf32>
    %get3A_62 = vector.shape_cast %get3A_61 : vector<1x256x768xf32> to vector<256x768xf32>
    %select_n3A_63 = arith.select %eq3A_57, %get3A_62, %get3A_3 : vector<256x768xf32>
    %get3A_64 = arith.constant 0 : index
    %get3A_65 = arith.constant 0 : index
    %get3A_66 = arith.constant 0 : index
    %get3A_67 = vector.load %arg4[%get3A_64, %get3A_65, %get3A_66] : memref<1x768x3xf32, #tpu.memory_space<vmem>>, vector<1x768x3xf32>
    %get3A_68 = vector.shape_cast %get3A_67 : vector<1x768x3xf32> to vector<768x3xf32>
    %dot_general3A_69 = arith.constant dense<0.000000e+00> : vector<256x3xf32>
    %dot_general3A_70 = tpu.matmul %select_n3A_63, %get3A_68, %dot_general3A_69 {dimension_numbers = #tpu.dot_dimension_numbers<[1], [0], [0], [1], [0, 0, 1, 1], [], []>, transpose_lhs_hint = false} : vector<256x768xf32>, vector<768x3xf32>, vector<256x3xf32> -> vector<256x3xf32>
    %get3A_71 = arith.constant 0 : index
    %get3A_72 = arith.constant 0 : index
    %get3A_73 = arith.constant 0 : index
    %get3A_74 = vector.load %arg5[%get3A_71, %get3A_72, %get3A_73] : memref<1x1x3xf32, #tpu.memory_space<vmem>>, vector<1x1x3xf32>
    %get3A_75 = vector.shape_cast %get3A_74 : vector<1x1x3xf32> to vector<1x3xf32>
    %add3A_76 = vector.broadcast %get3A_75 : vector<1x3xf32> to vector<256x3xf32>
    %add3A_77 = arith.addf %dot_general3A_70, %add3A_76 : vector<256x3xf32>
    %swap3A_78 = arith.constant 0 : index
    %swap3A_79 = arith.constant 0 : index
    %swap3A_80 = arith.constant 0 : index
    %swap3A_81 = vector.load %arg9[%swap3A_78, %swap3A_79, %swap3A_80] : memref<1x256x3xf32, #tpu.memory_space<vmem>>, vector<1x256x3xf32>
    %swap3A_82 = vector.shape_cast %swap3A_81 : vector<1x256x3xf32> to vector<256x3xf32>
    %swap3A_83 = vector.shape_cast %add3A_77 : vector<256x3xf32> to vector<1x256x3xf32>
    tpu.vector_store %arg9[%swap3A_78, %swap3A_79, %swap3A_80], %swap3A_83 {strides = array<i32>} : memref<1x256x3xf32, #tpu.memory_space<vmem>>, vector<1x256x3xf32>,
    return
  }
  func.func @transform_0(%arg0: i32) -> (i32, i32, i32) {
    %mul3A = arith.constant 2 : i32
    %mul3A_0 = arith.muli %mul3A, %arg0 : i32
    %c0_i32 = arith.constant 0 : i32
    %c0_i32_1 = arith.constant 0 : i32
    %c0_i32_2 = arith.constant 0 : i32
    return %mul3A_0, %c0_i32, %c0_i32_1 : i32, i32, i32
  }
  func.func @transform_1(%arg0: i32) -> (i32, i32, i32) {
    %mul3A = arith.constant 2 : i32
    %mul3A_0 = arith.muli %mul3A, %arg0 : i32
    %add3A = arith.constant 1 : i32
    %add3A_1 = arith.addi %mul3A_0, %add3A : i32
    %c0_i32 = arith.constant 0 : i32
    %c0_i32_2 = arith.constant 0 : i32
    %c0_i32_3 = arith.constant 0 : i32
    return %add3A_1, %c0_i32, %c0_i32_2 : i32, i32, i32
  }
  func.func @transform_2(%arg0: i32) -> (i32, i32, i32) {
    %jit3A = arith.constant 2 : i32
    %div3A = arith.divsi %arg0, %jit3A : i32
    %sign3A = arith.constant 0 : i32
    %sign3A_0 = arith.cmpi sgt, %arg0, %sign3A : i32
    %sign3A_1 = arith.extui %sign3A_0 : i1 to i32
    %sign3A_2 = arith.constant 0 : i32
    %sign3A_3 = arith.cmpi slt, %arg0, %sign3A_2 : i32
    %sign3A_4 = arith.extui %sign3A_3 : i1 to i32
    %sign3A_5 = arith.subi %sign3A_1, %sign3A_4 : i32
    %sign3A_6 = arith.constant 0 : i32
    %sign3A_7 = arith.cmpi sgt, %jit3A, %sign3A_6 : i32
    %sign3A_8 = arith.extui %sign3A_7 : i1 to i32
    %sign3A_9 = arith.constant 0 : i32
    %sign3A_10 = arith.cmpi slt, %jit3A, %sign3A_9 : i32
    %sign3A_11 = arith.extui %sign3A_10 : i1 to i32
    %sign3A_12 = arith.subi %sign3A_8, %sign3A_11 : i32
    %ne3A = arith.cmpi ne, %sign3A_5, %sign3A_12 : i32
    %rem3A = arith.remsi %arg0, %jit3A : i32
    %ne3A_13 = arith.constant 0 : i32
    %ne3A_14 = arith.cmpi ne, %rem3A, %ne3A_13 : i32
    %and3A = arith.andi %ne3A, %ne3A_14 : i1
    %sub3A = arith.constant 1 : i32
    %sub3A_15 = arith.subi %div3A, %sub3A : i32
    %select_n3A = arith.select %and3A, %sub3A_15, %div3A : i32
    %c0_i32 = arith.constant 0 : i32
    %c0_i32_16 = arith.constant 0 : i32
    %c0_i32_17 = arith.constant 0 : i32
    return %select_n3A, %c0_i32, %c0_i32_16 : i32, i32, i32
  }
  func.func @transform_3(%arg0: i32) -> (i32, i32, i32) {
    %jit3A = arith.constant 2 : i32
    %eq3A = arith.constant 0 : i32
    %eq3A_0 = arith.cmpi eq, %jit3A, %eq3A : i32
    %jit3A_1 = arith.constant 1 : i32
    %select_n3A = arith.select %eq3A_0, %jit3A_1, %jit3A : i32
    %rem3A = arith.remsi %arg0, %select_n3A : i32
    %ne3A = arith.constant 0 : i32
    %ne3A_2 = arith.cmpi ne, %rem3A, %ne3A : i32
    %lt3A = arith.constant 0 : i32
    %lt3A_3 = arith.cmpi slt, %rem3A, %lt3A : i32
    %lt3A_4 = arith.constant 0 : i32
    %lt3A_5 = arith.cmpi slt, %select_n3A, %lt3A_4 : i32
    %ne3A_6 = arith.xori %lt3A_3, %lt3A_5 : i1
    %and3A = arith.andi %ne3A_6, %ne3A_2 : i1
    %add3A = arith.addi %rem3A, %select_n3A : i32
    %select_n3A_7 = arith.select %and3A, %add3A, %rem3A : i32
    %c0_i32 = arith.constant 0 : i32
    %c0_i32_8 = arith.constant 0 : i32
    %c0_i32_9 = arith.constant 0 : i32
    return %select_n3A_7, %c0_i32, %c0_i32_8 : i32, i32, i32
  }
  func.func @transform_4(%arg0: i32) -> (i32, i32, i32) {
    %jit3A = arith.constant 2 : i32
    %eq3A = arith.constant 0 : i32
    %eq3A_0 = arith.cmpi eq, %jit3A, %eq3A : i32
    %jit3A_1 = arith.constant 1 : i32
    %select_n3A = arith.select %eq3A_0, %jit3A_1, %jit3A : i32
    %rem3A = arith.remsi %arg0, %select_n3A : i32
    %ne3A = arith.constant 0 : i32
    %ne3A_2 = arith.cmpi ne, %rem3A, %ne3A : i32
    %lt3A = arith.constant 0 : i32
    %lt3A_3 = arith.cmpi slt, %rem3A, %lt3A : i32
    %lt3A_4 = arith.constant 0 : i32
    %lt3A_5 = arith.cmpi slt, %select_n3A, %lt3A_4 : i32
    %ne3A_6 = arith.xori %lt3A_3, %lt3A_5 : i1
    %and3A = arith.andi %ne3A_6, %ne3A_2 : i1
    %add3A = arith.addi %rem3A, %select_n3A : i32
    %select_n3A_7 = arith.select %and3A, %add3A, %rem3A : i32
    %c0_i32 = arith.constant 0 : i32
    %c0_i32_8 = arith.constant 0 : i32
    %c0_i32_9 = arith.constant 0 : i32
    return %select_n3A_7, %c0_i32, %c0_i32_8 : i32, i32, i32
  }
  func.func @transform_5(%arg0: i32) -> (i32, i32, i32) {
    %c0_i32 = arith.constant 0 : i32
    %c0_i32_0 = arith.constant 0 : i32
    %c0_i32_1 = arith.constant 0 : i32
    return %arg0, %c0_i32, %c0_i32_0 : i32, i32, i32
  }
  func.func @transform_6(%arg0: i32) -> (i32, i32, i32) {
    %c0_i32 = arith.constant 0 : i32
    %c0_i32_0 = arith.constant 0 : i32
    %c0_i32_1 = arith.constant 0 : i32
    return %arg0, %c0_i32, %c0_i32_0 : i32, i32, i32
  }
  func.func @transform_7(%arg0: i32) -> (i32, i32, i32) {
    %c0_i32 = arith.constant 0 : i32
    %c0_i32_0 = arith.constant 0 : i32
    %c0_i32_1 = arith.constant 0 : i32
    return %arg0, %c0_i32, %c0_i32_0 : i32, i32, i32
  }
  func.func @transform_8(%arg0: i32) -> (i32, i32, i32) {
    %c0_i32 = arith.constant 0 : i32
    %c0_i32_0 = arith.constant 0 : i32
    %c0_i32_1 = arith.constant 0 : i32
    return %arg0, %c0_i32, %c0_i32_0 : i32, i32, i32
  }
}

module attributes {stable_mosaic.version = 14 : i64} {
  func.func @_loss_body(%arg0: i32, %arg1: memref<1x3x2048xf32, #tpu.memory_space<vmem>>, %arg2: memref<1x1x2048xi32, #tpu.memory_space<vmem>>, %arg3: memref<1x1x2048xi32, #tpu.memory_space<vmem>>, %arg4: memref<1x1xf32, #tpu.memory_space<vmem>>) attributes {dimension_semantics = [#tpu.dimension_semantics<arbitrary>], iteration_bounds = array<i64: 4>, scalar_prefetch = 0 : i64, scratch_operands = 0 : i64, tpu.core_type = #tpu.core_type<tc>, window_params = [{transform_indices = @transform_0, window_bounds = array<i64: 1, 3, 2048>}, {transform_indices = @transform_1, window_bounds = array<i64: 1, 1, 2048>}, {transform_indices = @transform_2, window_bounds = array<i64: 1, 1, 2048>}, {pipeline_mode = #tpu.pipeline_mode<synchronous>, transform_indices = @transform_3, window_bounds = array<i64: 1, 1>}]} {
    %get3A = arith.constant 0 : index
    %get3A_0 = arith.constant 0 : index
    %get3A_1 = arith.constant 0 : index
    %get3A_2 = vector.load %arg1[%get3A, %get3A_0, %get3A_1] : memref<1x3x2048xf32, #tpu.memory_space<vmem>>, vector<1x3x2048xf32>
    %get3A_3 = vector.shape_cast %get3A_2 : vector<1x3x2048xf32> to vector<3x2048xf32>
    %get3A_4 = arith.constant 0 : index
    %get3A_5 = arith.constant 0 : index
    %get3A_6 = arith.constant 0 : index
    %get3A_7 = vector.load %arg2[%get3A_4, %get3A_5, %get3A_6] : memref<1x1x2048xi32, #tpu.memory_space<vmem>>, vector<1x1x2048xi32>
    %get3A_8 = vector.shape_cast %get3A_7 : vector<1x1x2048xi32> to vector<1x2048xi32>
    %slice3A = vector.extract_strided_slice %get3A_3 {offsets = [0, 0], sizes = [1, 2048], strides = [1, 1]} : vector<3x2048xf32> to vector<1x2048xf32>
    %slice3A_9 = vector.extract_strided_slice %get3A_3 {offsets = [1, 0], sizes = [1, 2048], strides = [1, 1]} : vector<3x2048xf32> to vector<1x2048xf32>
    %slice3A_10 = vector.extract_strided_slice %get3A_3 {offsets = [2, 0], sizes = [1, 2048], strides = [1, 1]} : vector<3x2048xf32> to vector<1x2048xf32>
    %abs3A = math.absf %slice3A : vector<1x2048xf32>
    %abs3A_11 = math.absf %slice3A_9 : vector<1x2048xf32>
    %add3A = arith.addf %abs3A, %abs3A_11 : vector<1x2048xf32>
    %abs3A_12 = math.absf %slice3A_10 : vector<1x2048xf32>
    %add3A_13 = arith.addf %add3A, %abs3A_12 : vector<1x2048xf32>
    %gt3A = arith.constant 0.000000e+00 : f32
    %gt3A_14 = vector.broadcast %gt3A : f32 to vector<1x2048xf32>
    %gt3A_15 = arith.cmpf ogt, %add3A_13, %gt3A_14 : vector<1x2048xf32>
    %convert_element_type3A = arith.extui %gt3A_15 : vector<1x2048xi1> to vector<1x2048xi32>
    %convert_element_type3A_16 = arith.sitofp %convert_element_type3A : vector<1x2048xi32> to vector<1x2048xf32>
    %max3A = arith.maximumf %slice3A, %slice3A_9 : vector<1x2048xf32>
    %max3A_17 = arith.maximumf %max3A, %slice3A_10 : vector<1x2048xf32>
    %sub3A = arith.subf %slice3A, %max3A_17 : vector<1x2048xf32>
    %exp3A = math.exp %sub3A : vector<1x2048xf32>
    %sub3A_18 = arith.subf %slice3A_9, %max3A_17 : vector<1x2048xf32>
    %exp3A_19 = math.exp %sub3A_18 : vector<1x2048xf32>
    %add3A_20 = arith.addf %exp3A, %exp3A_19 : vector<1x2048xf32>
    %sub3A_21 = arith.subf %slice3A_10, %max3A_17 : vector<1x2048xf32>
    %exp3A_22 = math.exp %sub3A_21 : vector<1x2048xf32>
    %add3A_23 = arith.addf %add3A_20, %exp3A_22 : vector<1x2048xf32>
    %log3A = math.log %add3A_23 : vector<1x2048xf32>
    %add3A_24 = arith.addf %log3A, %max3A_17 : vector<1x2048xf32>
    %eq3A = arith.constant 0 : i32
    %eq3A_25 = vector.broadcast %eq3A : i32 to vector<1x2048xi32>
    %eq3A_26 = arith.cmpi eq, %get3A_8, %eq3A_25 : vector<1x2048xi32>
    %eq3A_27 = arith.constant 1 : i32
    %eq3A_28 = vector.broadcast %eq3A_27 : i32 to vector<1x2048xi32>
    %eq3A_29 = arith.cmpi eq, %get3A_8, %eq3A_28 : vector<1x2048xi32>
    %select_n3A = arith.select %eq3A_29, %slice3A_9, %slice3A_10 : vector<1x2048xi1>, vector<1x2048xf32>
    %select_n3A_30 = arith.select %eq3A_26, %slice3A, %select_n3A : vector<1x2048xi1>, vector<1x2048xf32>
    %sub3A_31 = arith.subf %add3A_24, %select_n3A_30 : vector<1x2048xf32>
    %eq3A_32 = arith.constant 0 : i32
    %eq3A_33 = vector.broadcast %eq3A_32 : i32 to vector<1x2048xi32>
    %eq3A_34 = arith.cmpi eq, %get3A_8, %eq3A_33 : vector<1x2048xi32>
    %eq3A_35 = arith.constant 1 : i32
    %eq3A_36 = vector.broadcast %eq3A_35 : i32 to vector<1x2048xi32>
    %eq3A_37 = arith.cmpi eq, %get3A_8, %eq3A_36 : vector<1x2048xi32>
    %jit3A = arith.constant 2.000000e+00 : f32
    %jit3A_38 = arith.constant 4.000000e+00 : f32
    %broadcast_in_dim3A = vector.broadcast %jit3A : f32 to vector<1x2048xf32>
    %broadcast_in_dim3A_39 = vector.broadcast %jit3A_38 : f32 to vector<1x2048xf32>
    %select_n3A_40 = arith.select %eq3A_37, %broadcast_in_dim3A, %broadcast_in_dim3A_39 : vector<1x2048xi1>, vector<1x2048xf32>
    %jit3A_41 = arith.constant 1.000000e+00 : f32
    %broadcast_in_dim3A_42 = vector.broadcast %jit3A_41 : f32 to vector<1x2048xf32>
    %select_n3A_43 = arith.select %eq3A_34, %broadcast_in_dim3A_42, %select_n3A_40 : vector<1x2048xi1>, vector<1x2048xf32>
    %mul3A = arith.mulf %select_n3A_43, %convert_element_type3A_16 : vector<1x2048xf32>
    %mul3A_44 = arith.mulf %sub3A_31, %mul3A : vector<1x2048xf32>
    %reduce_sum3A = vector.shape_cast %mul3A_44 : vector<1x2048xf32> to vector<1x1x2048xf32>
    %reduce_sum3A_45 = arith.constant dense<0.000000e+00> : vector<1xf32>
    %reduce_sum3A_46 = vector.multi_reduction <add>, %reduce_sum3A, %reduce_sum3A_45 [1, 2] : vector<1x1x2048xf32> to vector<1xf32>
    %reduce_sum3A_47 = vector.shape_cast %reduce_sum3A_46 : vector<1xf32> to vector<1x1x1xf32>
    %reduce_sum3A_48 = vector.extract %reduce_sum3A_47[0, 0, 0] : f32 from vector<1x1x1xf32>
    %broadcast_in_dim3A_49 = vector.broadcast %reduce_sum3A_48 : f32 to vector<1x1xf32>
    %reduce_sum3A_50 = vector.shape_cast %mul3A : vector<1x2048xf32> to vector<1x1x2048xf32>
    %reduce_sum3A_51 = arith.constant dense<0.000000e+00> : vector<1xf32>
    %reduce_sum3A_52 = vector.multi_reduction <add>, %reduce_sum3A_50, %reduce_sum3A_51 [1, 2] : vector<1x1x2048xf32> to vector<1xf32>
    %reduce_sum3A_53 = vector.shape_cast %reduce_sum3A_52 : vector<1xf32> to vector<1x1x1xf32>
    %reduce_sum3A_54 = vector.extract %reduce_sum3A_53[0, 0, 0] : f32 from vector<1x1x1xf32>
    %broadcast_in_dim3A_55 = vector.broadcast %reduce_sum3A_54 : f32 to vector<1x1xf32>
    %max3A_56 = arith.constant 9.99999997E-7 : f32
    %max3A_57 = vector.broadcast %max3A_56 : f32 to vector<1x1xf32>
    %max3A_58 = arith.maximumf %broadcast_in_dim3A_55, %max3A_57 : vector<1x1xf32>
    %div3A = arith.divf %broadcast_in_dim3A_49, %max3A_58 : vector<1x1xf32>
    %broadcast_in_dim3A_59 = arith.constant 0 : i32
    %broadcast_in_dim3A_60 = vector.broadcast %broadcast_in_dim3A_59 : i32 to vector<1x2048xi32>
    %gt3A_61 = arith.cmpf ogt, %slice3A_9, %slice3A : vector<1x2048xf32>
    %jit3A_62 = arith.constant 1 : i32
    %broadcast_in_dim3A_63 = vector.broadcast %jit3A_62 : i32 to vector<1x2048xi32>
    %select_n3A_64 = arith.select %gt3A_61, %broadcast_in_dim3A_63, %broadcast_in_dim3A_60 : vector<1x2048xi1>, vector<1x2048xi32>
    %max3A_65 = arith.maximumf %slice3A, %slice3A_9 : vector<1x2048xf32>
    %gt3A_66 = arith.cmpf ogt, %slice3A_10, %max3A_65 : vector<1x2048xf32>
    %jit3A_67 = arith.constant 2 : i32
    %broadcast_in_dim3A_68 = vector.broadcast %jit3A_67 : i32 to vector<1x2048xi32>
    %select_n3A_69 = arith.select %gt3A_66, %broadcast_in_dim3A_68, %select_n3A_64 : vector<1x2048xi1>, vector<1x2048xi32>
    %gt3A_70 = arith.constant 0.000000e+00 : f32
    %gt3A_71 = vector.broadcast %gt3A_70 : f32 to vector<1x2048xf32>
    %gt3A_72 = arith.cmpf ogt, %convert_element_type3A_16, %gt3A_71 : vector<1x2048xf32>
    %jit3A_73 = arith.constant -1 : i32
    %broadcast_in_dim3A_74 = vector.broadcast %jit3A_73 : i32 to vector<1x2048xi32>
    %select_n3A_75 = arith.select %gt3A_72, %select_n3A_69, %broadcast_in_dim3A_74 : vector<1x2048xi1>, vector<1x2048xi32>
    %swap3A = arith.constant 0 : index
    %swap3A_76 = arith.constant 0 : index
    %swap3A_77 = arith.constant 0 : index
    %swap3A_78 = vector.load %arg3[%swap3A, %swap3A_76, %swap3A_77] : memref<1x1x2048xi32, #tpu.memory_space<vmem>>, vector<1x1x2048xi32>
    %swap3A_79 = vector.shape_cast %swap3A_78 : vector<1x1x2048xi32> to vector<1x2048xi32>
    %swap3A_80 = vector.shape_cast %select_n3A_75 : vector<1x2048xi32> to vector<1x1x2048xi32>
    tpu.vector_store %arg3[%swap3A, %swap3A_76, %swap3A_77], %swap3A_80 {strides = array<i32>} : memref<1x1x2048xi32, #tpu.memory_space<vmem>>, vector<1x1x2048xi32>,
    %eq3A_81 = arith.constant 0 : i32
    %eq3A_82 = arith.cmpi eq, %arg0, %eq3A_81 : i32
    %convert_element_type3A_83 = arith.extui %eq3A_82 : i1 to i32
    %cond3A = arith.constant 0 : i32
    %cond3A_84 = arith.cmpi ne, %convert_element_type3A_83, %cond3A : i32
    scf.if %cond3A_84 {
      %swap3A_90 = arith.constant 0 : index
      %swap3A_91 = arith.constant 0 : index
      %swap3A_92 = vector.load %arg4[%swap3A_90, %swap3A_91] : memref<1x1xf32, #tpu.memory_space<vmem>>, vector<1x1xf32>
      tpu.vector_store %arg4[%swap3A_90, %swap3A_91], %div3A {strides = array<i32>} : memref<1x1xf32, #tpu.memory_space<vmem>>, vector<1x1xf32>,
    } else {
    }
    %gt3A_85 = arith.constant 0 : i32
    %gt3A_86 = arith.cmpi sgt, %arg0, %gt3A_85 : i32
    %convert_element_type3A_87 = arith.extui %gt3A_86 : i1 to i32
    %cond3A_88 = arith.constant 0 : i32
    %cond3A_89 = arith.cmpi ne, %convert_element_type3A_87, %cond3A_88 : i32
    scf.if %cond3A_89 {
      %get3A_90 = arith.constant 0 : index
      %get3A_91 = arith.constant 0 : index
      %get3A_92 = vector.load %arg4[%get3A_90, %get3A_91] : memref<1x1xf32, #tpu.memory_space<vmem>>, vector<1x1xf32>
      %add3A_93 = arith.addf %get3A_92, %div3A : vector<1x1xf32>
      %swap3A_94 = arith.constant 0 : index
      %swap3A_95 = arith.constant 0 : index
      %swap3A_96 = vector.load %arg4[%swap3A_94, %swap3A_95] : memref<1x1xf32, #tpu.memory_space<vmem>>, vector<1x1xf32>
      tpu.vector_store %arg4[%swap3A_94, %swap3A_95], %add3A_93 {strides = array<i32>} : memref<1x1xf32, #tpu.memory_space<vmem>>, vector<1x1xf32>,
    } else {
    }
    return
  }
  func.func @transform_0(%arg0: i32) -> (i32, i32, i32) {
    %c0_i32 = arith.constant 0 : i32
    %c0_i32_0 = arith.constant 0 : i32
    %c0_i32_1 = arith.constant 0 : i32
    return %arg0, %c0_i32, %c0_i32_0 : i32, i32, i32
  }
  func.func @transform_1(%arg0: i32) -> (i32, i32, i32) {
    %c0_i32 = arith.constant 0 : i32
    %c0_i32_0 = arith.constant 0 : i32
    %c0_i32_1 = arith.constant 0 : i32
    return %arg0, %c0_i32, %c0_i32_0 : i32, i32, i32
  }
  func.func @transform_2(%arg0: i32) -> (i32, i32, i32) {
    %c0_i32 = arith.constant 0 : i32
    %c0_i32_0 = arith.constant 0 : i32
    %c0_i32_1 = arith.constant 0 : i32
    return %arg0, %c0_i32, %c0_i32_0 : i32, i32, i32
  }
  func.func @transform_3(%arg0: i32) -> (i32, i32) {
    %c0_i32 = arith.constant 0 : i32
    %c0_i32_0 = arith.constant 0 : i32
    %c0_i32_1 = arith.constant 0 : i32
    return %c0_i32, %c0_i32_0 : i32, i32
  }
}

</mosaic_0001>

<sc_bundles>
// kernel: kernel.10.cloned.1.call-start
scs
__scs_entry_jumppad:
0x0: {  	(pc) =	sbr.rel $0x88, $3  }
0x1: {  	(tag) =	ssettag $0x0;
	lr =	simm.s32 $0x1  }
0x2: {  	[smem:$0x3F94] =	sst lr;
	_ =	strace $0xD0000000  }
0x3: {  	_ = 	snop  }
0x4: {  	_ = 	snop  }
0x5: {  	_ = 	snop  }
0x6: {  	_ = 	snop  }
0x7: {  	_ = 	snop  }
__scs_overlays_trampoline_lowered:
0x8: {  	[smem:$0x3FA3] =	sst s0  }
0x9: {  	[smem:$0x3FA4] =	sst s1  }
0xa: {  	[smem:$0x3FA5] =	sst s2  }
0xb: {  	[smem:$0x3FA6] =	sst s3  }
0xc: {  	[smem:$0x3FA7] =	sst s4  }
0xd: {  	[smem:$0x3FA8] =	sst s5  }
0xe: {  	[smem:$0x3FA9] =	sst s6  }
0xf: {  	[smem:$0x3FAA] =	sst s7  }
0x10: {  	[smem:$0x3FAB] =	sst s8  }
0x11: {  	[smem:$0x3FAC] =	sst s9;
	s0 =	simm.s32 @!p0 $0x0  }
0x12: {  	s1 =	sld [smem:$0x3F92];
	s0 =	simm.s32 @p0 $0x1  }
0x13: {  	[smem:$0x3FAD] =	sst s0;
	s0 =	simm.s32 @!p1 $0x0  }
0x14: {  	s2 =	sld [smem:$0x3F91];
	s0 =	simm.s32 @p1 $0x1  }
0x15: {  	[smem:$0x3FAE] =	sst s0;
	s0 =	simm.s32 @!p2 $0x0  }
0x16: {  	s3 =	sld [smem:$0x3FDB];
	s0 =	simm.s32 @p2 $0x1  }
0x17: {  	s4 =	simm.s32 $0x1BF5;
	[smem:$0x3FB0] =	sst s0  }
0x18: {  	s0 =	sld [smem:$0x3F93];
	_ =	swait.ge [sflag:s4], $0x0  }
0x19: {  	s7 =	sld [smem:$0x3F94]  }
0x1a: {  	s8 =	sadd.s32 $0xFFFFE003, lr  }
0x1b: {  	s9 =	sadd.s32 $0xFFFFFEF7, lr;
	s5 =	simm.s32 $0xFFFFFFFF;
	p2 =	slt.u32 s8, $0xFFFFF086  }
0x1c: {  	p1 =	slt.u32 s9, $0xF7A;
	s5 =	simm.s32 @!p2 $0x0  }
0x1d: {  	s5 =	simm.s32 @p1 $0x1;
	p0 =	seq.s32 s7, s2  }
0x1e: {  	s7 =	smul.u32 @!p0 $0xF7A, s2;
	p2 =	seq.s32 @!p0 s5, $0x0  }
0x1f: {  	s9 =	smul.u32 $0xF7A, s1;
	s8 =	simm.s32 @!p0 $0x1BF5;
	p2 =	por !p2, p0  }
0x20: {  	[sflag:s8] =	ssyncset.s32 @!p0 $0xFFFFF086;
	s6 =	sadd.s32 @!p0 s3, s7;
	s7 =	simm.s32 @!p0 $0x108  }
0x21: {  	s3 =	sadd.s32 s3, s9;
	s6 =	sadd.s32 @!p0 $0x88, s6;
	s7 =	simm.s32 @p2 $0x1082  }
0x22: {  	[simem:s7], [sflag:s8] =	dma.local @!p0 [hbm:s6], $0xF7A  }
0x23: {  	s9 =	sor.u32 $0xD0000000, s2;
	s6 =	simm.s32 $0x108;
	_ =	swait.ge @!p0 [sflag:s8], $0x0  }
0x24: {  	s3 =	sadd.s32 $0x88, s3;
	s6 =	simm.s32 @!p1 $0x1082;
	[sflag:s4] =	ssyncset.s32 $0xFFFFF086  }
0x25: {  	[simem:s6], [sflag:s4] =	dma.local [hbm:s3], $0xF7A  }
0x26: {  	[smem:$0x3F94] =	sst s1;
	(tag) =	ssettag s2;
	_ =	strace s9  }
0x27: {  	s1 =	sld [smem:$0x3FA4]  }
0x28: {  	s2 =	sld [smem:$0x3FA5]  }
0x29: {  	s4 =	sld [smem:$0x3FA7]  }
0x2a: {  	p0 =	seq.s32 s5, $0x0;
	s5 =	sld [smem:$0x3FA8]  }
0x2b: {  	s6 =	sld [smem:$0x3FA9]  }
0x2c: {  	s7 =	sld [smem:$0x3FAA]  }
0x2d: {  	s3 =	simm.s32 $0x108;
	s8 =	sld [smem:$0x3FAB]  }
0x2e: {  	s3 =	simm.s32 @!p0 $0x1082;
	s9 =	sld [smem:$0x3FAC]  }
0x2f: {  	lr =	sadd.s32 s0, s3;
	s0 =	sld [smem:$0x3FA3]  }
0x30: {  	s3 =	sld [smem:$0x3FA6]  }
0x31: {  	[smem:$0x3FAF] =	sst s10  }
0x32: {  	s10 =	sld [smem:$0x3FAD];
	_ =	sdelay $0x3  }
0x33: {  	p0 =	seq.s32 s10, $0x1;
	s10 =	sld [smem:$0x3FAF];
	_ =	sdelay $0x3  }
0x34: {  	[smem:$0x3FAF] =	sst s10  }
0x35: {  	s10 =	sld [smem:$0x3FAE];
	_ =	sdelay $0x3  }
0x36: {  	p1 =	seq.s32 s10, $0x1;
	s10 =	sld [smem:$0x3FAF];
	_ =	sdelay $0x3  }
0x37: {  	[smem:$0x3FAF] =	sst s10  }
0x38: {  	s10 =	sld [smem:$0x3FB0]  }
0x39: {  	_ = 	snop;
	(pc) =	sbr.ind lr, $3  }
0x3a: {  	_ = 	snop  }
0x3b: {  	_ = 	snop  }
0x3c: {  	p2 =	seq.s32 s10, $0x1;
	s10 =	sld [smem:$0x3FAF]  }
0x3d: {  	_ =	shalt  }
0x3e: {  	_ =	shalt  }
0x3f: {  	_ =	shalt  }
0x40: {  	_ =	shalt  }
0x41: {  	_ =	shalt  }
0x42: {  	_ =	shalt  }
0x43: {  	_ =	shalt  }
0x44: {  	_ =	shalt  }
0x45: {  	_ =	shalt  }
0x46: {  	_ =	shalt  }
0x47: {  	_ =	shalt  }
0x48: {  	_ =	shalt  }
0x49: {  	_ =	shalt  }
0x4a: {  	_ =	shalt  }
0x4b: {  	_ =	shalt  }
0x4c: {  	_ =	shalt  }
0x4d: {  	_ =	shalt  }
0x4e: {  	_ =	shalt  }
0x4f: {  	_ =	shalt  }
0x50: {  	_ =	shalt  }
0x51: {  	_ =	shalt  }
0x52: {  	_ =	shalt  }
0x53: {  	_ =	shalt  }
0x54: {  	_ =	shalt  }
0x55: {  	_ =	shalt  }
0x56: {  	_ =	shalt  }
0x57: {  	_ =	shalt  }
0x58: {  	_ =	shalt  }
0x59: {  	_ =	shalt  }
0x5a: {  	_ =	shalt  }
0x5b: {  	_ =	shalt  }
0x5c: {  	_ =	shalt  }
0x5d: {  	_ =	shalt  }
0x5e: {  	_ =	shalt  }
0x5f: {  	_ =	shalt  }
0x60: {  	_ =	shalt  }
0x61: {  	_ =	shalt  }
0x62: {  	_ =	shalt  }
0x63: {  	_ =	shalt  }
0x64: {  	_ =	shalt  }
0x65: {  	_ =	shalt  }
0x66: {  	_ =	shalt  }
0x67: {  	_ =	shalt  }
0x68: {  	_ =	shalt  }
0x69: {  	_ =	shalt  }
0x6a: {  	_ =	shalt  }
0x6b: {  	_ =	shalt  }
0x6c: {  	_ =	shalt  }
0x6d: {  	_ =	shalt  }
0x6e: {  	_ =	shalt  }
0x6f: {  	_ =	shalt  }
0x70: {  	_ =	shalt  }
0x71: {  	_ =	shalt  }
0x72: {  	_ =	shalt  }
0x73: {  	_ =	shalt  }
0x74: {  	_ =	shalt  }
0x75: {  	_ =	shalt  }
0x76: {  	_ =	shalt  }
0x77: {  	_ =	shalt  }
0x78: {  	_ =	shalt  }
0x79: {  	_ =	shalt  }
0x7a: {  	_ =	shalt  }
0x7b: {  	_ =	shalt  }
0x7c: {  	_ =	shalt  }
0x7d: {  	_ =	shalt  }
0x7e: {  	_ =	shalt  }
0x7f: {  	_ =	shalt  }
0x80: {  	_ =	shalt  }
0x81: {  	_ =	shalt  }
0x82: {  	_ =	shalt  }
0x83: {  	_ =	shalt  }
0x84: {  	_ =	shalt  }
0x85: {  	_ =	shalt  }
0x86: {  	_ =	shalt  }
0x87: {  	_ =	shalt  }
.Lfunc_end0:
.L_simem_size_0:
called_computation.1_lowered:
.L_overlay_start_0:
0x88: {  	s2 =	sld [smem:$0x3FD9]  }
0x89: {  	s3 =	sld [smem:$0x3FFE];
	_ =	sdelay $0x1  }
0x8a: {  	s1 =	srdreg.scid  }
0x8b: {  	s0 =	sand.u32 $0x1, s1  }
0x8c: {  	s14 =	sshll.u32 s0, $0xA;
	s2 =	sadd.s32 s3, s2  }
0x8d: {  	s2 =	sadd.s32 s2, s14  }
0x8e: {  	[smem:$0x3FBB] =	sst s2  }
0x8f: {  	_ = 	snop  }
0x90: {  	s2 =	sld [smem:$0x3FD0];
	_ =	sdelay $0x1  }
0x91: {  	s15 =	sld [smem:$0x3FC1]  }
0x92: {  	s5 =	simm.s32 $0xA;
	s6 =	simm.s32 $0x10;
	s4 =	sld [smem:$0x3FBF]  }
0x93: {  	[smem:s6], [sflag:s5] =	dma.local [hbm:s2], $0x1  }
0x94: {  	_ =	swait.eq [sflag:s5], $0x1  }
0x95: {  	[sflag:s5] =	ssyncset.done $0x0  }
0x96: {  	s16 =	sld [smem:$0x10];
	[sflag:s5] =	ssyncadd.s32 $0xFFFFFFFF  }
0x97: {  	s17 =	sld [smem:$0x11];
	(tm) =	ssettm $0x1  }
0x98: {  	s18 =	sld [smem:$0x3FFB];
	_ =	sdelay $0x3  }
0x99: {  	_ =	strace s18  }
0x9a: {  	s6 =	sld [smem:$0x3FFC];
	_ =	sdelay $0x3  }
0x9b: {  	_ =	strace s6  }
0x9c: {  	s6 =	sld [smem:$0x3FFD];
	_ =	sdelay $0x3  }
0x9d: {  	_ =	strace s6  }
0x9e: {  	_ =	strace $0x8FFFFFFF  }
0x9f: {  	s19 =	sld [smem:$0x3FDB];
	_ =	sdelay $0x1  }
0xa0: {  	s7 =	simm.s32 $_scs_section_size  }
0xa1: {  	s8 =	simm.s32 $_size__tile_overlayer_lowered;
	s9 =	simm.s32 $_tile_overlayer_lowered  }
0xa2: {  	s22 =	simm.s32 $0x1BFF;
	s21 =	sshll.u32 s9, $0x1;
	s6 =	sadd.s32 s7, s19  }
0xa3: {  	s10 =	simm.s32 $0x0;
	s20 =	sshll.u32 s8, $0x1;
	s8 =	sadd.s32 s21, s6  }
0xa4: {  	[timem:s10], [sflag:s22] =	dma.local [hbm:s8], s20  }
0xa5: {  	_ =	swait.ge [sflag:s22], s20  }
0xa6: {  	s7 =	ssub.s32 $0x0, s20;
	[sflag:s22] =	ssyncset.done $0x0  }
0xa7: {  	[sflag:s22] =	ssyncadd.s32 s7;
	_ =	sdelay $0x1  }
0xa8: {  	s23 =	simm.s32 $0x1B8B  }
0xa9: {  	_ =	swait.ge [sflag:s23], $0x1  }
0xaa: {  	[sflag:s23] =	ssyncset.done $0x0  }
0xab: {  	s25 =	simm.s32 $0x1B8E;
	s24 =	sld [smem:$0x3FFE];
	[sflag:s23] =	ssyncadd.s32 $0xFFFFFFFF  }
0xac: {  	s26 =	simm.s32 $execute0_lowered;
	[smem:$0x3FD2] =	sst s25  }
0xad: {  	s8 =	sshll.u32 s26, $0x1;
	_ =	strace $0x80000049;
	[dreg:$0x1] =	wrdreg $0xFFFFFFFF  }
0xae: {  	s28 =	simm.s32 $_size_execute0_lowered;
	s6 =	sadd.s32 s6, s8;
	[dreg:$0x0] =	wrdreg $0x0  }
0xaf: {  	s8 =	sshll.u32 s28, $0x1;
	[dreg:$0x2] =	wrdreg s6  }
0xb0: {  	[dreg:$0x3] =	wrdreg s8  }
0xb1: {  	[dreg:$0x4] =	wrdreg $0xC0  }
0xb2: {  	_ =	task [dreg:s10], $0x5FFFF  }
0xb3: {  	[dreg:$0x1] =	wrdreg $0xFFFFFFFF  }
0xb4: {  	[dreg:$0x0] =	wrdreg $0x60  }
0xb5: {  	[dreg:$0x2] =	wrdreg s17  }
0xb6: {  	[dreg:$0x3] =	wrdreg s16  }
0xb7: {  	[dreg:$0x4] =	wrdreg s24  }
0xb8: {  	[dreg:$0x5] =	wrdreg s15  }
0xb9: {  	[dreg:$0x6] =	wrdreg s4  }
0xba: {  	[dreg:$0x7] =	wrdreg $0x9  }
0xbb: {  	_ =	task.clear_ibuf [dreg:s10], $0x8FFFF;
	_ =	strace $0x90000049  }
0xbc: {  	s29 =	simm.s32 $0x9;
	_ =	strace $0x8000004B  }
0xbd: {  	_ =	swait.ge [sflag:s29], $0x1  }
0xbe: {  	[sflag:s29] =	ssyncadd.s32 $0xFFFFFFFF  }
0xbf: {  	_ =	strace $0x9000004B  }
0xc0: {  	_ =	sfence  }
0xc1: {  	s30 =	sld [smem:$0x0];
	_ =	sdelay $0x2  }
0xc2: {  	s31 =	sshll.u32 s1, $0xD;
	s1 =	sshrl.u32 s1, $0x2  }
0xc3: {  	s3 =	sand.u32 $0x4000, s31;
	s1 =	sadd.s32 s1, s30  }
0xc4: {  	s0 =	sor.u32 s3, s0;
	s1 =	sshll.u32 s1, $0x11  }
0xc5: {  	s0 =	sor.u32 s1, s0  }
0xc6: {  	s0 =	sadd.s32 $0x8F2B, s0  }
0xc7: {  	[sflag:s0] =	ssyncadd.remote.s32 $0x1  }
0xc8: {  	_ =	sfence.sel $0xFFFF  }
0xc9: {  	[dreg:$0x0] =	wrdreg $0xFFFFFFFF;
	(pc) =	sbr.abs _section_cstart, $3  }
0xca: {  	[dreg:$0x1] =	wrdreg $0xFFFFFFFF  }
0xcb: {  	_ =	task.clear_ibuf [dreg:s10], $0x2FFFF;
	_ =	strace $0x9FFFFFFF  }
0xcc: {  	(tm) =	ssettm $0x7FFFFFFF  }
0xcd: {  	_ =	shalt  }
tec
execute0_lowered:
.L_overlay_start_1:
0x0: {  	(tag) =	ssettag $0x1  }
0x1: {  	s6 =	rddreg [dreg:$0x0];
	s1 =	stileid.u32  }
0x2: {  	s5 =	rddreg [dreg:$0x1];
	p0 =	sgt.u32 s1, $0x1  }
.Ltmp0:
0x3: {  	s4 =	rddreg [dreg:$0x2];
	(pc) =	sbr.rel @p0 .LBB2_9-.Ltmp0, $4  }
0x4: {  	s8 =	rddreg [dreg:$0x3]  }
0x5: {  	s10 =	rddreg [dreg:$0x4];
	s2 =	simm.s32 $0x0  }
0x6: {  	[smem:$0x7FF] =	sst s2  }
0x7: {  	s0 =	rddreg [dreg:$0x5];
	_ =	strace $0x8000004A  }
0x8: {  	s3 =	srdreg.scid;
	s30 =	sshll.u32 s1, $0x1;
	s11 =	sadd.s32 $0x2800, s4  }
0x9: {  	s17 =	simm.s32 $0x4E00;
	s18 =	simm.s32 $0x80;
	s19 =	simm.s32 $0x400  }
0xa: {  	s20 =	simm.s32 $0x200;
	s21 =	simm.s32 $0x300;
	s22 =	simm.s32 $0x1B00  }
0xb: {  	s23 =	simm.s32 $0x1E00;
	s24 =	simm.s32 $0x8000;
	s9 =	sand.u32 $0x1, s3  }
0xc: {  	s25 =	simm.s32 $0x8100;
	s26 =	simm.s32 $0x6600;
	s7 =	sor.u32 s9, s30  }
0xd: {  	s3 =	sadd.s32 $0x2A00, s4;
	s16 =	ssub.s32 $0x2, s9;
	s12 =	sshll.u32 s7, $0x4  }
0xe: {  	s14 =	sshll.u32 s7, $0x5;
	s31 =	sshrl.u32 s16, $0x1;
	s13 =	sadd.s32 s12, s4  }
0xf: {  	s4 =	sadd.s32 s6, s14;
	s5 =	sadd.s32 s5, s12;
	s15 =	sor.u32 $0x10, s14  }
0x10: {  	v0 =	vlaneseq.u32;
	s8 =	sadd.s32 s8, s12;
	s9 =	sadd.s32 s11, s14;
	s10 =	sadd.s32 s10, s12  }
0x11: {  	v1 =	vmul.u32 $0x3, v0;
	s14 =	ssub.s32 s16, s31;
	s16 =	simm.s32 $0x1;
	s6 =	sadd.s32 s6, s15  }
0x12: {  	s7 =	sadd.s32 $0x7AA00, s13;
	s11 =	sadd.s32 s11, s15;
	s12 =	sadd.s32 $0x3A00, s13  }
0x13: {  	v4 =	vimm.s32 $0x0;
	v2 =	vadd.s32 $0x1, v1;
	v3 =	vadd.s32 $0x2, v1;
	s13 =	sadd.s32 $0x2E00, s13;
	s14 =	smax.u32 s14, $0x1;
	s15 =	simm.s32 $0x3600  }
.LBB2_2:
0x14: {  	s28 =	simm.s32 $0x0  }
0x15: {  	[tilespmem:s15], [sflag:$0x1] =	stream.linear.gather [hbm4b:s3+s28], $0x1800, $0x38;
	[tilespmem:$0x8200] =	vst v63  }
0x16: {  	_ =	swait.ge [sflag:s16], $0x1800  }
0x17: {  	[sflag:s16] =	ssyncset.done $0x0  }
0x18: {  	[sflag:s16] =	ssyncadd.s32 $0xFFFFE800  }
0x19: {  	[tilespmem:s17], [sflag:$0x1] =	stream.linear.gather [hbm4b:s3+s28], $0x1800, $0x38;
	[tilespmem:$0x8200] =	vst v63  }
0x1a: {  	_ =	swait.ge [sflag:s16], $0x1800  }
0x1b: {  	[sflag:s16] =	ssyncset.done $0x0  }
0x1c: {  	[sflag:s16] =	ssyncadd.s32 $0xFFFFE800  }
0x1d: {  	[tilespmem:s28], [sflag:$0x1] =	stream.strided.gather [hbm4b:s4+s18], $0x300, s19, s18, $0x38;
	[tilespmem:$0x8200] =	vst v63  }
0x1e: {  	_ =	swait.ge [sflag:s16], $0x300  }
0x1f: {  	[sflag:s16] =	ssyncset.done $0x0  }
0x20: {  	[sflag:s16] =	ssyncadd.s32 $0xFFFFFD00  }
0x21: {  	[tilespmem:s21], [sflag:$0x1] =	stream.strided.gather [hbm4b:s5+s18], $0x1800, s20, s18, $0x38;
	[tilespmem:$0x8200] =	vst v63  }
0x22: {  	_ =	swait.ge [sflag:s16], $0x1800  }
0x23: {  	[sflag:s16] =	ssyncset.done $0x0  }
0x24: {  	[sflag:s16] =	ssyncadd.s32 $0xFFFFE800  }
0x25: {  	[tilespmem:s22], [sflag:$0x1] =	stream.strided.gather [hbm4b:s6+s18], $0x300, s19, s18, $0x38;
	[tilespmem:$0x8200] =	vst v63  }
0x26: {  	_ =	swait.ge [sflag:s16], $0x300  }
0x27: {  	[sflag:s16] =	ssyncset.done $0x0  }
0x28: {  	[sflag:s16] =	ssyncadd.s32 $0xFFFFFD00  }
0x29: {  	[tilespmem:s23], [sflag:$0x1] =	stream.strided.gather [hbm4b:s7+s18], $0x1800, s20, s18, $0x38;
	[tilespmem:$0x8200] =	vst v63  }
0x2a: {  	_ =	swait.ge [sflag:s16], $0x1800  }
0x2b: {  	[sflag:s16] =	ssyncset.done $0x0  }
0x2c: {  	s29 =	simm.s32 $0x7E00;
	[sflag:s16] =	ssyncadd.s32 $0xFFFFE800  }
0x2d: {  	[tilespmem:s29], [sflag:$0x1] =	stream.strided.gather [hbm4b:s8+s18], $0x100, s20, s18, $0x38;
	[tilespmem:$0x8200] =	vst v63  }
0x2e: {  	_ =	swait.ge [sflag:s16], $0x100  }
0x2f: {  	[sflag:s16] =	ssyncset.done $0x0  }
0x30: {  	s30 =	simm.s32 $0x7F00;
	[sflag:s16] =	ssyncadd.s32 $0xFFFFFF00  }
0x31: {  	[tilespmem:s30], [sflag:$0x1] =	stream.strided.gather [hbm4b:s9+s18], $0x100, s19, s18, $0x38;
	[tilespmem:$0x8200] =	vst v63  }
0x32: {  	_ =	swait.ge [sflag:s16], $0x100  }
0x33: {  	[sflag:s16] =	ssyncset.done $0x0  }
0x34: {  	[sflag:s16] =	ssyncadd.s32 $0xFFFFFF00  }
0x35: {  	[tilespmem:s24], [sflag:$0x1] =	stream.strided.gather [hbm4b:s10+s18], $0x100, s20, s18, $0x38;
	[tilespmem:$0x8200] =	vst v63  }
0x36: {  	_ =	swait.ge [sflag:s16], $0x100  }
0x37: {  	[sflag:s16] =	ssyncset.done $0x0  }
0x38: {  	[sflag:s16] =	ssyncadd.s32 $0xFFFFFF00  }
0x39: {  	[tilespmem:s25], [sflag:$0x1] =	stream.strided.gather [hbm4b:s11+s18], $0x100, s19, s18, $0x38;
	[tilespmem:$0x8200] =	vst v63  }
0x3a: {  	_ =	swait.ge [sflag:s16], $0x100  }
0x3b: {  	[sflag:s16] =	ssyncset.done $0x0  }
0x3c: {  	s31 =	simm.s32 $0x0;
	[sflag:s16] =	ssyncadd.s32 $0xFFFFFF00  }
.LBB2_3:
0x3d: {  	v5 =	vld [tilespmem:s30+$0x0];
	v6 =	vmov s31  }
0x3e: {  	v6 =	vmul.u32 $0x3, v6;
	_ =	sdelay $0x1  }
0x3f: {  	v6 =	vbroadcast v6, $0x0;
	_ =	sdelay $0x1  }
0x40: {  	v7 =	vadd.s32 v1, v6;
	v5 =	vmul.u32 $0x3, v5;
	_ =	sdelay $0x3  }
0x41: {  	v8 =	vld [tilespmem:s29+$0x0]  }
0x42: {  	v7 =	vld.idx.msk [tilespmem:v7+s28+$0x0], $0xffff  }
0x43: {  	v9 =	vld.idx.msk [tilespmem:v5+s21+$0x0], $0xffff;
	_ =	sdelay $0x2  }
0x44: {  	v10 =	vadd.s32 v2, v6  }
0x45: {  	v11 =	vadd.s32 $0x1, v5  }
0x46: {  	v7 =	vadd.f32 v9, v7;
	_ =	sdelay $0x1  }
0x47: {  	[tilespmem:v8+s15+$0x0] =	vst.idx.msk $0xffff, v7  }
0x48: {  	v7 =	vld.idx.msk [tilespmem:v10+s28+$0x0], $0xffff  }
0x49: {  	v62 =	vld.idx.msk [tilespmem:v11+s21+$0x0], $0xffff;
	_ =	sdelay $0x1  }
0x4a: {  	v63 =	vadd.s32 $0x800, v8  }
0x4b: {  	v6 =	vadd.s32 v3, v6  }
0x4c: {  	v5 =	vadd.s32 $0x2, v5  }
0x4d: {  	v7 =	vadd.f32 v62, v7;
	_ =	sdelay $0x1  }
0x4e: {  	[tilespmem:v63+s15+$0x0] =	vst.idx.msk $0xffff, v7  }
0x4f: {  	v6 =	vld.idx.msk [tilespmem:v6+s28+$0x0], $0xffff  }
0x50: {  	v5 =	vld.idx.msk [tilespmem:v5+s21+$0x0], $0xffff;
	_ =	sdelay $0x1  }
0x51: {  	p0 =	sne.s32 s31, $0xF0;
	v7 =	vadd.s32 $0x1000, v8  }
.Ltmp1:
0x52: {  	_ = 	snop;
	(pc) =	sbr.rel @p0 .LBB2_3-.Ltmp1, $3  }
0x53: {  	_ = 	snop  }
0x54: {  	v5 =	vadd.f32 v5, v6;
	_ =	sdelay $0x1  }
0x55: {  	s29 =	sadd.s32 $0x10, s29;
	s30 =	sadd.s32 $0x10, s30;
	s31 =	sadd.s32 $0x10, s31;
	[tilespmem:v7+s15+$0x0] =	vst.idx.msk $0xffff, v5  }
0x56: {  	s30 =	simm.s32 $0x8000;
	s31 =	simm.s32 $0x8100  }
.LBB2_5:
0x57: {  	v5 =	vld [tilespmem:s31+$0x0];
	v6 =	vmov s28  }
0x58: {  	v6 =	vmul.u32 $0x3, v6;
	_ =	sdelay $0x1  }
0x59: {  	v6 =	vbroadcast v6, $0x0;
	_ =	sdelay $0x1  }
0x5a: {  	v7 =	vadd.s32 v1, v6;
	v5 =	vmul.u32 $0x3, v5;
	_ =	sdelay $0x3  }
0x5b: {  	v8 =	vld [tilespmem:s30+$0x0]  }
0x5c: {  	v7 =	vld.idx.msk [tilespmem:v7+s22+$0x0], $0xffff  }
0x5d: {  	v9 =	vld.idx.msk [tilespmem:v5+s23+$0x0], $0xffff;
	_ =	sdelay $0x2  }
0x5e: {  	v10 =	vadd.s32 v2, v6  }
0x5f: {  	v11 =	vadd.s32 $0x1, v5  }
0x60: {  	v7 =	vadd.f32 v9, v7  }
0x61: {  	s29 =	simm.s32 $0x4E00  }
0x62: {  	[tilespmem:v8+s29+$0x0] =	vst.idx.msk $0xffff, v7  }
0x63: {  	v7 =	vld.idx.msk [tilespmem:v10+s22+$0x0], $0xffff  }
0x64: {  	v62 =	vld.idx.msk [tilespmem:v11+s23+$0x0], $0xffff;
	_ =	sdelay $0x1  }
0x65: {  	v63 =	vadd.s32 $0x800, v8  }
0x66: {  	v6 =	vadd.s32 v3, v6  }
0x67: {  	v5 =	vadd.s32 $0x2, v5  }
0x68: {  	v7 =	vadd.f32 v62, v7;
	_ =	sdelay $0x1  }
0x69: {  	[tilespmem:v63+s29+$0x0] =	vst.idx.msk $0xffff, v7  }
0x6a: {  	v6 =	vld.idx.msk [tilespmem:v6+s22+$0x0], $0xffff  }
0x6b: {  	v5 =	vld.idx.msk [tilespmem:v5+s23+$0x0], $0xffff;
	_ =	sdelay $0x1  }
0x6c: {  	p0 =	sne.s32 s28, $0xF0;
	v7 =	vadd.s32 $0x1000, v8  }
.Ltmp2:
0x6d: {  	_ = 	snop;
	(pc) =	sbr.rel @p0 .LBB2_5-.Ltmp2, $3  }
0x6e: {  	_ = 	snop  }
0x6f: {  	v5 =	vadd.f32 v5, v6;
	_ =	sdelay $0x1  }
0x70: {  	s30 =	sadd.s32 $0x10, s30;
	s31 =	sadd.s32 $0x10, s31;
	s28 =	sadd.s32 $0x10, s28;
	[tilespmem:v7+s29+$0x0] =	vst.idx.msk $0xffff, v5  }
0x71: {  	s28 =	simm.s32 $0x0  }
0x72: {  	v5 =	vor.u32 s28, v0  }
0x73: {  	v6 =	vmov s28;
	v7 =	vand.u32 $0x7FF, v5  }
0x74: {  	vm0 =	veq.s32 v6, v0;
	vm1 =	vne.s32 v7, $0x0  }
0x75: {  	s28 =	simm.s32 $0x3600;
	vm0 =	vmand vm0, vm1  }
0x76: {  	v8 =	vld [tilespmem:s28+$0x0];
	v6 =	vshrl.u32 v6, $0xB;
	v9 =	vsel vm0, $0xFFFFFFFF, v4  }
0x77: {  	v7 =	vld [tilespmem:s29+$0x0];
	v6 =	vadd.s32 v9, v6  }
0x78: {  	v9 =	vshll.u32 v6, $0xB  }
0x79: {  	v5 =	vsub.s32 v5, v9  }
0x7a: {  	v5 =	vmul.u32 $0x3, v5;
	_ =	sdelay $0x1  }
0x7b: {  	v7 =	vadd.f32 v7, v8;
	v6 =	vadd.s32 v6, v5  }
0x7c: {  	s30 =	simm.s32 $0x10  }
0x7d: {  	s31 =	simm.s32 $0x20;
	v7 =	vmul.f32 $5.000000000e-01, v7;
	v5 =	vor.u32 s30, v0  }
.LBB2_7:
0x7e: {  	p0 =	sne.s32 s31, $0x17F0;
	v8 =	vmov s30;
	v9 =	vand.u32 $0x7FF, v5;
	s30 =	smov.u32 s31  }
0x7f: {  	vm0 =	veq.s32 v8, v0;
	vm1 =	vne.s32 v9, $0x0;
	[tilespmem:s28+$0x0] =	vst v7  }
0x80: {  	s29 =	sadd.s32 $0x10, s29;
	vm0 =	vmand vm0, vm1;
	[tilespmem:v6+s26+$0x0] =	vst.idx.msk $0xffff, v7  }
0x81: {  	s28 =	sadd.s32 $0x10, s28;
	v7 =	vshrl.u32 v8, $0xB;
	v6 =	vld [tilespmem:s29+$0x0];
	v8 =	vsel vm0, $0xFFFFFFFF, v4  }
0x82: {  	v9 =	vld [tilespmem:s28+$0x0];
	v7 =	vadd.s32 v8, v7  }
0x83: {  	v8 =	vshll.u32 v7, $0xB  }
0x84: {  	v5 =	vsub.s32 v5, v8  }
.Ltmp3:
0x85: {  	v5 =	vmul.u32 $0x3, v5;
	(pc) =	sbr.rel @p0 .LBB2_7-.Ltmp3, $3  }
0x86: {  	_ = 	snop  }
0x87: {  	v8 =	vadd.f32 v6, v9;
	v6 =	vadd.s32 v7, v5;
	_ =	sdelay $0x1  }
0x88: {  	s31 =	sadd.s32 $0x10, s31;
	v5 =	vor.u32 s30, v0;
	v7 =	vmul.f32 $5.000000000e-01, v8  }
0x89: {  	_ =	sdelay $0x1  }
0x8a: {  	v8 =	vmov s30;
	v9 =	vand.u32 $0x7FF, v5  }
0x8b: {  	vm0 =	veq.s32 v8, v0;
	vm1 =	vne.s32 v9, $0x0;
	[tilespmem:s28+$0x0] =	vst v7  }
0x8c: {  	s29 =	sadd.s32 $0x10, s29;
	vm0 =	vmand vm0, vm1;
	[tilespmem:v6+s26+$0x0] =	vst.idx.msk $0xffff, v7  }
0x8d: {  	s31 =	sadd.s32 $0x10, s28;
	v7 =	vshrl.u32 v8, $0xB;
	v6 =	vld [tilespmem:s29+$0x0];
	v62 =	vsel vm0, $0xFFFFFFFF, v4  }
0x8e: {  	v63 =	vld [tilespmem:s31+$0x0];
	v7 =	vadd.s32 v62, v7  }
0x8f: {  	v8 =	vshll.u32 v7, $0xB  }
0x90: {  	v5 =	vsub.s32 v5, v8  }
0x91: {  	v5 =	vmul.u32 $0x3, v5;
	_ =	sdelay $0x1  }
0x92: {  	v6 =	vadd.f32 v6, v63;
	v5 =	vadd.s32 v7, v5;
	_ =	sdelay $0x1  }
0x93: {  	v6 =	vmul.f32 $5.000000000e-01, v6;
	_ =	sdelay $0x1  }
0x94: {  	[tilespmem:s31+$0x0] =	vst v6  }
0x95: {  	[tilespmem:v5+s26+$0x0] =	vst.idx.msk $0xffff, v6  }
0x96: {  	[hbm4b:s12+s18] =	stream.strided.scatter [tilespmem:s26], [sflag:$0x1], $0x1800, s20, s18, $0x38;
	[tilespmem:$0x8200] =	vst v63  }
0x97: {  	s2 =	sadd.s32 $0x1, s2;
	_ =	swait.ge [sflag:s16], $0x1800  }
0x98: {  	p0 =	sne.s32 s2, s14;
	[sflag:s16] =	ssyncset.done $0x0  }
.Ltmp4:
0x99: {  	[sflag:s16] =	ssyncadd.s32 $0xFFFFE800;
	(pc) =	sbr.rel @p0 .LBB2_2-.Ltmp4, $4  }
0x9a: {  	[hbm4b:s13+s18] =	stream.strided.scatter [tilespmem:s15], [sflag:$0x1], $0x1800, s20, s18, $0x38;
	[tilespmem:$0x8200] =	vst v63  }
0x9b: {  	_ =	swait.ge [sflag:s16], $0x1800  }
0x9c: {  	[sflag:s16] =	ssyncset.done $0x0  }
0x9d: {  	[sflag:s16] =	ssyncadd.s32 $0xFFFFE800  }
.LBB2_9:
0x9e: {  	_ =	sfence.sel $0x180000  }
0x9f: {  	[bflag:$0x0] =	sbarrier.arrive $0xFFFF  }
0xa0: {  	p0 =	sne.s32 s1, $0x0;
	_ =	strace $0x9000004A  }
0xa1: {  	s0 =	sadd.s32 @!p0 $0x100000, s0;
	[bflag:$0x2] =	sbarrier.arrive $0xFFFF  }
0xa2: {  	[sflag:s0] =	ssyncadd.tile.s32 @!p0 $0x1;
	_ =	shalt  }
.Lfunc_end2:
_tile_overlayer_lowered:
.L_overlay_start_2:
0xa3: {  	(tag) =	ssettag $0x2  }
0xa4: {  	s0 =	rddreg [dreg:$0x0];
	s2 =	stileid.u32  }
0xa5: {  	s1 =	rddreg [dreg:$0x1];
	p0 =	sne.s32 s2, $0x0  }
0xa6: {  	s3 =	rddreg [dreg:$0x2];
	[bflag:$0x3] =	sbarrier.arrive $0xFFFF;
	s2 =	simm.s32 @!p0 $0x1C01  }
0xa7: {  	[timem:s3], [sflag:s2] =	dma.local @!p0 [hbm:s0], s1  }
0xa8: {  	s0 =	simm.s32 @!p0 $0x1  }
0xa9: {  	_ =	swait.ge @!p0 [sflag:s0], s1  }
0xaa: {  	s1 =	ssub.s32 @!p0 $0x0, s1;
	[sflag:s0] =	ssyncset.done @!p0 $0x0  }
0xab: {  	[sflag:s0] =	ssyncadd.s32 @!p0 s1  }
0xac: {  	[bflag:$0x3] =	sbarrier.arrive $0xFFFF  }
0xad: {  	_ =	shalt  }

// kernel: kernel.7.cloned.1.call-start
scs
__scs_entry_jumppad:
0x0: {  	(pc) =	sbr.rel $0x88, $3  }
0x1: {  	(tag) =	ssettag $0x0;
	lr =	simm.s32 $0x1  }
0x2: {  	[smem:$0x3F94] =	sst lr;
	_ =	strace $0xD0000000  }
0x3: {  	_ = 	snop  }
0x4: {  	_ = 	snop  }
0x5: {  	_ = 	snop  }
0x6: {  	_ = 	snop  }
0x7: {  	_ = 	snop  }
__scs_overlays_trampoline_lowered:
0x8: {  	[smem:$0x3FA3] =	sst s0  }
0x9: {  	[smem:$0x3FA4] =	sst s1  }
0xa: {  	[smem:$0x3FA5] =	sst s2  }
0xb: {  	[smem:$0x3FA6] =	sst s3  }
0xc: {  	[smem:$0x3FA7] =	sst s4  }
0xd: {  	[smem:$0x3FA8] =	sst s5  }
0xe: {  	[smem:$0x3FA9] =	sst s6  }
0xf: {  	[smem:$0x3FAA] =	sst s7  }
0x10: {  	[smem:$0x3FAB] =	sst s8  }
0x11: {  	[smem:$0x3FAC] =	sst s9;
	s0 =	simm.s32 @!p0 $0x0  }
0x12: {  	s1 =	sld [smem:$0x3F92];
	s0 =	simm.s32 @p0 $0x1  }
0x13: {  	[smem:$0x3FAD] =	sst s0;
	s0 =	simm.s32 @!p1 $0x0  }
0x14: {  	s2 =	sld [smem:$0x3F91];
	s0 =	simm.s32 @p1 $0x1  }
0x15: {  	[smem:$0x3FAE] =	sst s0;
	s0 =	simm.s32 @!p2 $0x0  }
0x16: {  	s3 =	sld [smem:$0x3FDB];
	s0 =	simm.s32 @p2 $0x1  }
0x17: {  	s4 =	simm.s32 $0x1BF5;
	[smem:$0x3FB0] =	sst s0  }
0x18: {  	s0 =	sld [smem:$0x3F93];
	_ =	swait.ge [sflag:s4], $0x0  }
0x19: {  	s7 =	sld [smem:$0x3F94]  }
0x1a: {  	s8 =	sadd.s32 $0xFFFFE003, lr  }
0x1b: {  	s9 =	sadd.s32 $0xFFFFFEF7, lr;
	s5 =	simm.s32 $0xFFFFFFFF;
	p2 =	slt.u32 s8, $0xFFFFF086  }
0x1c: {  	p1 =	slt.u32 s9, $0xF7A;
	s5 =	simm.s32 @!p2 $0x0  }
0x1d: {  	s5 =	simm.s32 @p1 $0x1;
	p0 =	seq.s32 s7, s2  }
0x1e: {  	s7 =	smul.u32 @!p0 $0xF7A, s2;
	p2 =	seq.s32 @!p0 s5, $0x0  }
0x1f: {  	s9 =	smul.u32 $0xF7A, s1;
	s8 =	simm.s32 @!p0 $0x1BF5;
	p2 =	por !p2, p0  }
0x20: {  	[sflag:s8] =	ssyncset.s32 @!p0 $0xFFFFF086;
	s6 =	sadd.s32 @!p0 s3, s7;
	s7 =	simm.s32 @!p0 $0x108  }
0x21: {  	s3 =	sadd.s32 s3, s9;
	s6 =	sadd.s32 @!p0 $0x88, s6;
	s7 =	simm.s32 @p2 $0x1082  }
0x22: {  	[simem:s7], [sflag:s8] =	dma.local @!p0 [hbm:s6], $0xF7A  }
0x23: {  	s9 =	sor.u32 $0xD0000000, s2;
	s6 =	simm.s32 $0x108;
	_ =	swait.ge @!p0 [sflag:s8], $0x0  }
0x24: {  	s3 =	sadd.s32 $0x88, s3;
	s6 =	simm.s32 @!p1 $0x1082;
	[sflag:s4] =	ssyncset.s32 $0xFFFFF086  }
0x25: {  	[simem:s6], [sflag:s4] =	dma.local [hbm:s3], $0xF7A  }
0x26: {  	[smem:$0x3F94] =	sst s1;
	(tag) =	ssettag s2;
	_ =	strace s9  }
0x27: {  	s1 =	sld [smem:$0x3FA4]  }
0x28: {  	s2 =	sld [smem:$0x3FA5]  }
0x29: {  	s4 =	sld [smem:$0x3FA7]  }
0x2a: {  	p0 =	seq.s32 s5, $0x0;
	s5 =	sld [smem:$0x3FA8]  }
0x2b: {  	s6 =	sld [smem:$0x3FA9]  }
0x2c: {  	s7 =	sld [smem:$0x3FAA]  }
0x2d: {  	s3 =	simm.s32 $0x108;
	s8 =	sld [smem:$0x3FAB]  }
0x2e: {  	s3 =	simm.s32 @!p0 $0x1082;
	s9 =	sld [smem:$0x3FAC]  }
0x2f: {  	lr =	sadd.s32 s0, s3;
	s0 =	sld [smem:$0x3FA3]  }
0x30: {  	s3 =	sld [smem:$0x3FA6]  }
0x31: {  	[smem:$0x3FAF] =	sst s10  }
0x32: {  	s10 =	sld [smem:$0x3FAD];
	_ =	sdelay $0x3  }
0x33: {  	p0 =	seq.s32 s10, $0x1;
	s10 =	sld [smem:$0x3FAF];
	_ =	sdelay $0x3  }
0x34: {  	[smem:$0x3FAF] =	sst s10  }
0x35: {  	s10 =	sld [smem:$0x3FAE];
	_ =	sdelay $0x3  }
0x36: {  	p1 =	seq.s32 s10, $0x1;
	s10 =	sld [smem:$0x3FAF];
	_ =	sdelay $0x3  }
0x37: {  	[smem:$0x3FAF] =	sst s10  }
0x38: {  	s10 =	sld [smem:$0x3FB0]  }
0x39: {  	_ = 	snop;
	(pc) =	sbr.ind lr, $3  }
0x3a: {  	_ = 	snop  }
0x3b: {  	_ = 	snop  }
0x3c: {  	p2 =	seq.s32 s10, $0x1;
	s10 =	sld [smem:$0x3FAF]  }
0x3d: {  	_ =	shalt  }
0x3e: {  	_ =	shalt  }
0x3f: {  	_ =	shalt  }
0x40: {  	_ =	shalt  }
0x41: {  	_ =	shalt  }
0x42: {  	_ =	shalt  }
0x43: {  	_ =	shalt  }
0x44: {  	_ =	shalt  }
0x45: {  	_ =	shalt  }
0x46: {  	_ =	shalt  }
0x47: {  	_ =	shalt  }
0x48: {  	_ =	shalt  }
0x49: {  	_ =	shalt  }
0x4a: {  	_ =	shalt  }
0x4b: {  	_ =	shalt  }
0x4c: {  	_ =	shalt  }
0x4d: {  	_ =	shalt  }
0x4e: {  	_ =	shalt  }
0x4f: {  	_ =	shalt  }
0x50: {  	_ =	shalt  }
0x51: {  	_ =	shalt  }
0x52: {  	_ =	shalt  }
0x53: {  	_ =	shalt  }
0x54: {  	_ =	shalt  }
0x55: {  	_ =	shalt  }
0x56: {  	_ =	shalt  }
0x57: {  	_ =	shalt  }
0x58: {  	_ =	shalt  }
0x59: {  	_ =	shalt  }
0x5a: {  	_ =	shalt  }
0x5b: {  	_ =	shalt  }
0x5c: {  	_ =	shalt  }
0x5d: {  	_ =	shalt  }
0x5e: {  	_ =	shalt  }
0x5f: {  	_ =	shalt  }
0x60: {  	_ =	shalt  }
0x61: {  	_ =	shalt  }
0x62: {  	_ =	shalt  }
0x63: {  	_ =	shalt  }
0x64: {  	_ =	shalt  }
0x65: {  	_ =	shalt  }
0x66: {  	_ =	shalt  }
0x67: {  	_ =	shalt  }
0x68: {  	_ =	shalt  }
0x69: {  	_ =	shalt  }
0x6a: {  	_ =	shalt  }
0x6b: {  	_ =	shalt  }
0x6c: {  	_ =	shalt  }
0x6d: {  	_ =	shalt  }
0x6e: {  	_ =	shalt  }
0x6f: {  	_ =	shalt  }
0x70: {  	_ =	shalt  }
0x71: {  	_ =	shalt  }
0x72: {  	_ =	shalt  }
0x73: {  	_ =	shalt  }
0x74: {  	_ =	shalt  }
0x75: {  	_ =	shalt  }
0x76: {  	_ =	shalt  }
0x77: {  	_ =	shalt  }
0x78: {  	_ =	shalt  }
0x79: {  	_ =	shalt  }
0x7a: {  	_ =	shalt  }
0x7b: {  	_ =	shalt  }
0x7c: {  	_ =	shalt  }
0x7d: {  	_ =	shalt  }
0x7e: {  	_ =	shalt  }
0x7f: {  	_ =	shalt  }
0x80: {  	_ =	shalt  }
0x81: {  	_ =	shalt  }
0x82: {  	_ =	shalt  }
0x83: {  	_ =	shalt  }
0x84: {  	_ =	shalt  }
0x85: {  	_ =	shalt  }
0x86: {  	_ =	shalt  }
0x87: {  	_ =	shalt  }
.Lfunc_end0:
.L_simem_size_0:
called_computation_lowered:
.L_overlay_start_0:
0x88: {  	s2 =	sld [smem:$0x3FD9]  }
0x89: {  	s3 =	sld [smem:$0x3FFE];
	_ =	sdelay $0x1  }
0x8a: {  	s1 =	srdreg.scid  }
0x8b: {  	s0 =	sand.u32 $0x1, s1  }
0x8c: {  	s14 =	sshll.u32 s0, $0xA;
	s2 =	sadd.s32 s3, s2  }
0x8d: {  	s2 =	sadd.s32 s2, s14  }
0x8e: {  	[smem:$0x3FBB] =	sst s2  }
0x8f: {  	_ = 	snop  }
0x90: {  	s2 =	sld [smem:$0x3FC9]  }
0x91: {  	s15 =	sld [smem:$0x3FD0]  }
0x92: {  	s4 =	sld [smem:$0x3FC7]  }
0x93: {  	s5 =	sld [smem:$0x3FC6]  }
0x94: {  	s7 =	simm.s32 $0xA;
	s8 =	simm.s32 $0x10;
	s6 =	sld [smem:$0x3FBF]  }
0x95: {  	[smem:s8], [sflag:s7] =	dma.local [hbm:s15], $0x1  }
0x96: {  	_ =	swait.eq [sflag:s7], $0x1  }
0x97: {  	[sflag:s7] =	ssyncset.done $0x0  }
0x98: {  	[sflag:s7] =	ssyncadd.s32 $0xFFFFFFFF  }
0x99: {  	s16 =	sld [smem:$0x11];
	(tm) =	ssettm $0x1  }
0x9a: {  	s17 =	sld [smem:$0x3FFB];
	_ =	sdelay $0x3  }
0x9b: {  	_ =	strace s17  }
0x9c: {  	s7 =	sld [smem:$0x3FFC];
	_ =	sdelay $0x3  }
0x9d: {  	_ =	strace s7  }
0x9e: {  	s7 =	sld [smem:$0x3FFD];
	_ =	sdelay $0x3  }
0x9f: {  	_ =	strace s7  }
0xa0: {  	_ =	strace $0x8FFFFFFF  }
0xa1: {  	s18 =	sld [smem:$0x3FDB];
	_ =	sdelay $0x1  }
0xa2: {  	s19 =	simm.s32 $_scs_section_size  }
0xa3: {  	s9 =	simm.s32 $_size__tile_overlayer_lowered;
	s10 =	simm.s32 $_tile_overlayer_lowered  }
0xa4: {  	s22 =	simm.s32 $0x1BFF;
	s21 =	sshll.u32 s10, $0x1;
	s7 =	sadd.s32 s19, s18  }
0xa5: {  	s11 =	simm.s32 $0x0;
	s20 =	sshll.u32 s9, $0x1;
	s9 =	sadd.s32 s21, s7  }
0xa6: {  	[timem:s11], [sflag:s22] =	dma.local [hbm:s9], s20  }
0xa7: {  	_ =	swait.ge [sflag:s22], s20  }
0xa8: {  	s8 =	ssub.s32 $0x0, s20;
	[sflag:s22] =	ssyncset.done $0x0  }
0xa9: {  	[sflag:s22] =	ssyncadd.s32 s8;
	_ =	sdelay $0x1  }
0xaa: {  	s23 =	simm.s32 $0x1B8B  }
0xab: {  	_ =	swait.ge [sflag:s23], $0x1  }
0xac: {  	[sflag:s23] =	ssyncset.done $0x0  }
0xad: {  	s25 =	simm.s32 $0x1B8E;
	s24 =	sld [smem:$0x3FFE];
	[sflag:s23] =	ssyncadd.s32 $0xFFFFFFFF  }
0xae: {  	s26 =	simm.s32 $execute0_lowered;
	[smem:$0x3FD2] =	sst s25  }
0xaf: {  	s9 =	sshll.u32 s26, $0x1;
	_ =	strace $0x80000046;
	[dreg:$0x1] =	wrdreg $0xFFFFFFFF  }
0xb0: {  	s28 =	simm.s32 $_size_execute0_lowered;
	s7 =	sadd.s32 s7, s9;
	[dreg:$0x0] =	wrdreg $0x0  }
0xb1: {  	s9 =	sshll.u32 s28, $0x1;
	[dreg:$0x2] =	wrdreg s7  }
0xb2: {  	[dreg:$0x3] =	wrdreg s9  }
0xb3: {  	[dreg:$0x4] =	wrdreg $0xC0  }
0xb4: {  	_ =	task [dreg:s11], $0x5FFFF  }
0xb5: {  	[dreg:$0x1] =	wrdreg $0xFFFFFFFF  }
0xb6: {  	[dreg:$0x0] =	wrdreg $0x60  }
0xb7: {  	[dreg:$0x2] =	wrdreg s2  }
0xb8: {  	[dreg:$0x3] =	wrdreg s5  }
0xb9: {  	[dreg:$0x4] =	wrdreg s4  }
0xba: {  	[dreg:$0x5] =	wrdreg s16  }
0xbb: {  	[dreg:$0x6] =	wrdreg s24  }
0xbc: {  	[dreg:$0x7] =	wrdreg s6  }
0xbd: {  	[dreg:$0x8] =	wrdreg $0x9  }
0xbe: {  	_ =	task.clear_ibuf [dreg:s11], $0x9FFFF;
	_ =	strace $0x90000046  }
0xbf: {  	s29 =	simm.s32 $0x9;
	_ =	strace $0x80000048  }
0xc0: {  	_ =	swait.ge [sflag:s29], $0x1  }
0xc1: {  	[sflag:s29] =	ssyncadd.s32 $0xFFFFFFFF  }
0xc2: {  	_ =	strace $0x90000048  }
0xc3: {  	_ =	sfence  }
0xc4: {  	s30 =	sld [smem:$0x0];
	_ =	sdelay $0x2  }
0xc5: {  	s31 =	sshll.u32 s1, $0xD;
	s1 =	sshrl.u32 s1, $0x2  }
0xc6: {  	s3 =	sand.u32 $0x4000, s31;
	s1 =	sadd.s32 s1, s30  }
0xc7: {  	s0 =	sor.u32 s3, s0;
	s1 =	sshll.u32 s1, $0x11  }
0xc8: {  	s0 =	sor.u32 s1, s0  }
0xc9: {  	s0 =	sadd.s32 $0x8F2B, s0  }
0xca: {  	[sflag:s0] =	ssyncadd.remote.s32 $0x1  }
0xcb: {  	_ =	sfence.sel $0xFFFF  }
0xcc: {  	[dreg:$0x0] =	wrdreg $0xFFFFFFFF;
	(pc) =	sbr.abs _section_cstart, $3  }
0xcd: {  	[dreg:$0x1] =	wrdreg $0xFFFFFFFF  }
0xce: {  	_ =	task.clear_ibuf [dreg:s11], $0x2FFFF;
	_ =	strace $0x9FFFFFFF  }
0xcf: {  	(tm) =	ssettm $0x7FFFFFFF  }
tec
execute0_lowered:
.L_overlay_start_1:
0x0: {  	(tag) =	ssettag $0x1  }
0x1: {  	s1 =	rddreg [dreg:$0x0]  }
0x2: {  	s2 =	rddreg [dreg:$0x1]  }
0x3: {  	s3 =	rddreg [dreg:$0x2]  }
0x4: {  	s7 =	rddreg [dreg:$0x3]  }
0x5: {  	s0 =	stileid.u32;
	s8 =	rddreg [dreg:$0x4]  }
0x6: {  	s4 =	srdreg.scid;
	s9 =	rddreg [dreg:$0x5];
	s5 =	sshll.u32 s0, $0x1  }
0x7: {  	s18 =	simm.s32 $0x80;
	s23 =	sand.u32 $0x6, s5;
	s5 =	simm.s32 $0x0  }
0x8: {  	s19 =	simm.s32 $0x100;
	s20 =	simm.s32 $0x980;
	[smem:$0x7FF] =	sst s5  }
0x9: {  	s21 =	simm.s32 $0x1180;
	_ =	strace $0x80000047;
	[dreg:$0xd] =	wrdreg s18  }
0xa: {  	s22 =	simm.s32 $0x1980;
	s28 =	simm.s32 $0x1D180;
	[dreg:$0xe] =	wrdreg s19  }
0xb: {  	s29 =	simm.s32 $0x1D980;
	s30 =	simm.s32 $0x1;
	[dreg:$0xf] =	wrdreg s20  }
0xc: {  	s6 =	sand.u32 $0x1, s4;
	s4 =	sshrl.u32 s0, $0x2;
	[dreg:$0x10] =	wrdreg s21  }
0xd: {  	s10 =	sor.u32 s6, s23;
	s23 =	simm.s32 $0x2180;
	[dreg:$0x11] =	wrdreg s22  }
0xe: {  	s15 =	sadd.s32 $0x2A00, s8;
	[dreg:$0x12] =	wrdreg s23;
	s18 =	simm.s32 $0x9980  }
0xf: {  	s24 =	sshll.u32 s0, $0x8;
	s19 =	simm.s32 $0xA180;
	[smem:$0x7E3] =	sst s18  }
0x10: {  	s12 =	sshll.u32 s4, $0x9;
	s20 =	simm.s32 $0xA980;
	[smem:$0x7E4] =	sst s19  }
0x11: {  	s13 =	sshll.u32 s4, $0x8;
	s21 =	simm.s32 $0xB180;
	[smem:$0x7E5] =	sst s20  }
0x12: {  	s16 =	sshll.u32 s4, $0xA;
	s22 =	simm.s32 $0xB980;
	[smem:$0x7E6] =	sst s21  }
0x13: {  	s17 =	sshll.u32 s4, $0x7;
	s23 =	simm.s32 $0xC980;
	[smem:$0x7E7] =	sst s22  }
0x14: {  	s11 =	sshll.u32 s10, $0x6;
	[smem:$0x7E8] =	sst s23;
	s18 =	simm.s32 $0x13180  }
0x15: {  	s10 =	sshll.u32 s10, $0x5;
	s19 =	simm.s32 $0x13980;
	[smem:$0x7F5] =	sst s18  }
0x16: {  	s12 =	sor.u32 s12, s11;
	s20 =	simm.s32 $0x14180;
	[smem:$0x7F6] =	sst s19  }
0x17: {  	s13 =	sor.u32 s13, s10;
	s21 =	simm.s32 $0x14980;
	[smem:$0x7F7] =	sst s20  }
0x18: {  	s11 =	sor.u32 s16, s11;
	s22 =	simm.s32 $0x15180;
	[smem:$0x7F8] =	sst s21  }
0x19: {  	s10 =	sand.u32 $0x60, s10;
	s23 =	simm.s32 $0x15980;
	[smem:$0x7F9] =	sst s22  }
0x1a: {  	s12 =	sshrl.u32 s12, $0x3;
	s11 =	sshrl.u32 s11, $0x3;
	[smem:$0x7FA] =	sst s23  }
0x1b: {  	s14 =	sadd.s32 s12, s8;
	s7 =	sadd.s32 s7, s12;
	s12 =	sand.u32 $0x200, s24  }
0x1c: {  	s26 =	smul.u32 $0x1800, s11;
	s24 =	simm.s32 $0x2980;
	[dreg:$0x7] =	wrdreg s7  }
0x1d: {  	s11 =	smul.u32 $0x300, s11;
	s0 =	sadd.s32 $0x2800, s14;
	[dreg:$0x13] =	wrdreg s24  }
0x1e: {  	s12 =	sor.u32 s17, s12;
	s24 =	simm.s32 $0xD180;
	[dreg:$0x8] =	wrdreg s0  }
0x1f: {  	s25 =	sor.u32 s12, s10;
	s14 =	sadd.s32 s15, s11;
	[smem:$0x7E9] =	sst s24  }
0x20: {  	s12 =	sshrl.u32 s26, $0x3;
	s26 =	simm.s32 $0x3980;
	[dreg:$0xa] =	wrdreg s14  }
0x21: {  	s13 =	sshrl.u32 s13, $0x3;
	s0 =	simm.s32 $0x4180;
	[dreg:$0x15] =	wrdreg s26  }
0x22: {  	s13 =	smul.u32 $0x300, s13;
	s10 =	simm.s32 $0x5980;
	[dreg:$0x16] =	wrdreg s0  }
0x23: {  	s31 =	simm.s32 $0x2;
	s11 =	simm.s32 $0x6180;
	[dreg:$0x19] =	wrdreg s10  }
0x24: {  	s8 =	sadd.s32 s13, s8;
	s13 =	simm.s32 $0x7180;
	[dreg:$0x1a] =	wrdreg s11  }
0x25: {  	s4 =	sshll.u32 s4, $0xB;
	s24 =	simm.s32 $0x16180;
	[dreg:$0x1c] =	wrdreg s13  }
0x26: {  	s6 =	ssub.s32 $0x2, s6;
	s17 =	sadd.s32 $0x62A00, s8;
	[smem:$0x7FB] =	sst s24  }
0x27: {  	s7 =	sshrl.u32 s25, $0x3;
	s25 =	simm.s32 $0x3180;
	[dreg:$0xc] =	wrdreg s17  }
0x28: {  	v0 =	vmov s4;
	s4 =	simm.s32 $0x3;
	s8 =	simm.s32 $0x4980;
	[dreg:$0x14] =	wrdreg s25  }
0x29: {  	s18 =	simm.s32 $0x18980;
	s14 =	simm.s32 $0x7980;
	[dreg:$0x17] =	wrdreg s8  }
0x2a: {  	s19 =	simm.s32 $0x19180;
	s26 =	simm.s32 $0xE180;
	[dreg:$0x1d] =	wrdreg s14  }
0x2b: {  	s20 =	simm.s32 $0x19980;
	s0 =	simm.s32 $0xE980;
	[smem:$0x7EB] =	sst s26  }
0x2c: {  	s21 =	simm.s32 $0x1A180;
	s10 =	simm.s32 $0x10180;
	[smem:$0x7EC] =	sst s0  }
0x2d: {  	s22 =	simm.s32 $0x1A980;
	s11 =	simm.s32 $0x10980;
	[smem:$0x7EF] =	sst s10  }
0x2e: {  	s23 =	simm.s32 $0x1B180;
	s7 =	sadd.s32 s9, s7;
	[smem:$0x7F0] =	sst s11  }
0x2f: {  	s9 =	sadd.s32 s15, s12;
	s12 =	simm.s32 $0x6980;
	[dreg:$0x9] =	wrdreg s7  }
0x30: {  	s13 =	sshrl.u32 s6, $0x1;
	s15 =	simm.s32 $0x8180;
	[dreg:$0x1b] =	wrdreg s12  }
0x31: {  	s24 =	simm.s32 $0x1B980;
	s17 =	simm.s32 $0x9180;
	[dreg:$0x1e] =	wrdreg s15  }
0x32: {  	s25 =	simm.s32 $0xD980;
	s8 =	simm.s32 $0xF180;
	[smem:$0x7E2] =	sst s17  }
0x33: {  	s14 =	simm.s32 $0x11980;
	s10 =	sadd.s32 $0x100, s3;
	[smem:$0x7EA] =	sst s25  }
0x34: {  	s11 =	sadd.s32 $0x200, s3;
	s26 =	simm.s32 $0x17180;
	[smem:$0x7ED] =	sst s8  }
0x35: {  	s16 =	sadd.s32 $0xC000, s9;
	s9 =	simm.s32 $0x5180;
	[smem:$0x7F2] =	sst s14  }
0x36: {  	s12 =	simm.s32 $0x11180;
	s15 =	ssub.s32 s6, s13;
	[smem:$0x7FD] =	sst s26  }
0x37: {  	s17 =	simm.s32 $0x12980;
	s6 =	sadd.s32 $0x100, s1;
	[dreg:$0xb] =	wrdreg s16  }
0x38: {  	s7 =	sadd.s32 $0x200, s1;
	s8 =	sadd.s32 $0x100, s2;
	[dreg:$0x18] =	wrdreg s9  }
0x39: {  	s13 =	simm.s32 $0x4;
	s25 =	simm.s32 $0x16980;
	[smem:$0x7F1] =	sst s12  }
0x3a: {  	s14 =	simm.s32 $0x180;
	s26 =	simm.s32 $0x1C980;
	[smem:$0x7F4] =	sst s17  }
0x3b: {  	s16 =	simm.s32 $0x8980;
	s9 =	simm.s32 $0xF980;
	[smem:$0x7FC] =	sst s25  }
0x3c: {  	v3 =	vlaneseq.u32;
	s12 =	smax.u32 s15, $0x1;
	s15 =	simm.s32 $0xC180;
	[dreg:$0x1f] =	wrdreg s16  }
0x3d: {  	vm0 =	vmmov $0xffff;
	v2 =	vshrl.u32 v3, $0x3;
	s17 =	simm.s32 $0x18180;
	[smem:$0x7EE] =	sst s9;
	s16 =	simm.s32 $0x12180  }
0x3e: {  	v1 =	vand.u32 $0x7, v3;
	v3 =	vor.u32 $0x8, v3;
	v2 =	vmul.u32 $0x8, v2;
	s25 =	simm.s32 $0x1C180;
	s9 =	sadd.s32 $0x200, s2;
	[smem:$0x7F3] =	sst s16  }
.LBB2_1:
0x3f: {  	s0 =	rddreg [dreg:$0x7]  }
0x40: {  	[tilespmem:s5], [sflag:$0x4] =	stream.linear.gather [hbm4b:s0+s5], $0x40, $0x38;
	[tilespmem:$0x1E180] =	vst v63  }
0x41: {  	_ =	swait.ge [sflag:s13], $0x40  }
0x42: {  	s0 =	rddreg [dreg:$0x8];
	[sflag:s13] =	ssyncset.done $0x0  }
0x43: {  	s16 =	rddreg [dreg:$0xd];
	[sflag:s13] =	ssyncadd.s32 $0xFFFFFFC0  }
0x44: {  	[tilespmem:s16], [sflag:$0x4] =	stream.linear.gather [hbm4b:s0+s5], $0x40, $0x38;
	[tilespmem:$0x1E180] =	vst v63  }
0x45: {  	_ =	swait.ge [sflag:s13], $0x40  }
0x46: {  	s0 =	rddreg [dreg:$0x9];
	[sflag:s13] =	ssyncset.done $0x0  }
0x47: {  	s16 =	rddreg [dreg:$0xe];
	[sflag:s13] =	ssyncadd.s32 $0xFFFFFFC0  }
0x48: {  	[tilespmem:s16], [sflag:$0x4] =	stream.linear.gather [hbm4b:s0+s5], $0x20, $0x38;
	[tilespmem:$0x1E180] =	vst v63  }
0x49: {  	_ =	swait.ge [sflag:s13], $0x20  }
0x4a: {  	[sflag:s13] =	ssyncset.done $0x0  }
0x4b: {  	[sflag:s13] =	ssyncadd.s32 $0xFFFFFFE0  }
0x4c: {  	v4 =	vld [tilespmem:$0x0];
	_ =	sdelay $0x4  }
0x4d: {  	v4 =	vadd.s32 v0, v4  }
0x4e: {  	[tilespmem:$0x0] =	vst v4  }
0x4f: {  	v4 =	vld [tilespmem:$0x0]  }
0x50: {  	v5 =	vld [tilespmem:$0x80]  }
0x51: {  	v6 =	vld [tilespmem:$0x10]  }
0x52: {  	v7 =	vld [tilespmem:$0x90]  }
0x53: {  	v8 =	vld [tilespmem:$0x20]  }
0x54: {  	v9 =	vld [tilespmem:$0xA0];
	v10 =	vshrl.u32 v4, $0x3  }
0x55: {  	v11 =	vld [tilespmem:$0x30];
	v5 =	vadd.s32 v0, v5;
	v10 =	vmul.u32 $0x30, v10  }
0x56: {  	v60 =	vld [tilespmem:$0xB0];
	[tilespmem:$0x80] =	vst v5;
	v5 =	vadd.s32 v0, v6;
	v4 =	vand.u32 $0x7, v4  }
0x57: {  	v61 =	vld [tilespmem:$0x100];
	[tilespmem:$0x10] =	vst v5;
	v5 =	vadd.s32 v0, v7;
	v4 =	vor.u32 v4, v10  }
0x58: {  	v62 =	vld [tilespmem:$0x110];
	[tilespmem:$0x90] =	vst v5;
	v5 =	vadd.s32 v0, v8;
	v10 =	vperm.xlane v4, v1  }
0x59: {  	[tilespmem:$0x20] =	vst v5;
	v5 =	vadd.s32 v0, v9  }
0x5a: {  	[tilespmem:$0xA0] =	vst v5;
	v5 =	vadd.s32 v0, v11;
	v63 =	vadd.s32 v2, v10  }
0x5b: {  	[tilespmem:$0x30] =	vst v5;
	v5 =	vadd.s32 v0, v60  }
0x5c: {  	[tilespmem:$0xB0] =	vst v5;
	v5 =	vadd.s32 v0, v61  }
0x5d: {  	[tilespmem:$0x100] =	vst v5;
	v5 =	vadd.s32 v0, v62  }
0x5e: {  	[tilespmem:$0x110] =	vst v5;
	v4 =	vperm.xlane v4, v3  }
0x5f: {  	[tilespmem:s14], [sflag:$0x1] =	stream.indirect_vreg.gather [hbm4b:s1+s5], $0x80, v63, vm0, $0xb8;
	[tilespmem:$0x1E180] =	vst v63  }
0x60: {  	s0 =	rddreg [dreg:$0xf];
	v4 =	vadd.s32 v2, v4  }
0x61: {  	[tilespmem:s0], [sflag:$0x1] =	stream.indirect_vreg.gather [hbm4b:s6+s5], $0x80, v63, vm0, $0xb8;
	[tilespmem:$0x1E180] =	vst v63  }
0x62: {  	s16 =	rddreg [dreg:$0x10]  }
0x63: {  	[tilespmem:s16], [sflag:$0x1] =	stream.indirect_vreg.gather [hbm4b:s7+s5], $0x80, v63, vm0, $0xb8;
	[tilespmem:$0x1E180] =	vst v63  }
0x64: {  	s0 =	rddreg [dreg:$0x11]  }
0x65: {  	[tilespmem:s0], [sflag:$0x1] =	stream.indirect_vreg.gather [hbm4b:s1+s5], $0x80, v4, vm0, $0xb8;
	[tilespmem:$0x1E180] =	vst v63  }
0x66: {  	s16 =	rddreg [dreg:$0x12]  }
0x67: {  	[tilespmem:s16], [sflag:$0x1] =	stream.indirect_vreg.gather [hbm4b:s6+s5], $0x80, v4, vm0, $0xb8;
	[tilespmem:$0x1E180] =	vst v63  }
0x68: {  	s0 =	rddreg [dreg:$0x13]  }
0x69: {  	[tilespmem:s0], [sflag:$0x1] =	stream.indirect_vreg.gather [hbm4b:s7+s5], $0x80, v4, vm0, $0xb8;
	[tilespmem:$0x1E180] =	vst v63  }
0x6a: {  	v4 =	vld [tilespmem:$0x10];
	_ =	sdelay $0x4  }
0x6b: {  	v5 =	vshrl.u32 v4, $0x3  }
0x6c: {  	v5 =	vmul.u32 $0x30, v5  }
0x6d: {  	v4 =	vand.u32 $0x7, v4  }
0x6e: {  	v4 =	vor.u32 v4, v5  }
0x6f: {  	v5 =	vperm.xlane v4, v1;
	_ =	sdelay $0x1  }
0x70: {  	v5 =	vadd.s32 v2, v5;
	_ =	sdelay $0x3  }
0x71: {  	s0 =	rddreg [dreg:$0x14];
	v4 =	vperm.xlane v4, v3  }
0x72: {  	[tilespmem:s0], [sflag:$0x1] =	stream.indirect_vreg.gather [hbm4b:s1+s5], $0x80, v5, vm0, $0xb8;
	[tilespmem:$0x1E180] =	vst v63  }
0x73: {  	s16 =	rddreg [dreg:$0x15];
	v4 =	vadd.s32 v2, v4  }
0x74: {  	[tilespmem:s16], [sflag:$0x1] =	stream.indirect_vreg.gather [hbm4b:s6+s5], $0x80, v5, vm0, $0xb8;
	[tilespmem:$0x1E180] =	vst v63  }
0x75: {  	s0 =	rddreg [dreg:$0x16]  }
0x76: {  	[tilespmem:s0], [sflag:$0x1] =	stream.indirect_vreg.gather [hbm4b:s7+s5], $0x80, v5, vm0, $0xb8;
	[tilespmem:$0x1E180] =	vst v63  }
0x77: {  	s16 =	rddreg [dreg:$0x17]  }
0x78: {  	[tilespmem:s16], [sflag:$0x1] =	stream.indirect_vreg.gather [hbm4b:s1+s5], $0x80, v4, vm0, $0xb8;
	[tilespmem:$0x1E180] =	vst v63  }
0x79: {  	s0 =	rddreg [dreg:$0x18]  }
0x7a: {  	[tilespmem:s0], [sflag:$0x1] =	stream.indirect_vreg.gather [hbm4b:s6+s5], $0x80, v4, vm0, $0xb8;
	[tilespmem:$0x1E180] =	vst v63  }
0x7b: {  	s16 =	rddreg [dreg:$0x19]  }
0x7c: {  	[tilespmem:s16], [sflag:$0x1] =	stream.indirect_vreg.gather [hbm4b:s7+s5], $0x80, v4, vm0, $0xb8;
	[tilespmem:$0x1E180] =	vst v63  }
0x7d: {  	v4 =	vld [tilespmem:$0x20];
	_ =	sdelay $0x4  }
0x7e: {  	v5 =	vshrl.u32 v4, $0x3  }
0x7f: {  	v5 =	vmul.u32 $0x30, v5  }
0x80: {  	v4 =	vand.u32 $0x7, v4  }
0x81: {  	v4 =	vor.u32 v4, v5  }
0x82: {  	v5 =	vperm.xlane v4, v1;
	_ =	sdelay $0x1  }
0x83: {  	v5 =	vadd.s32 v2, v5;
	_ =	sdelay $0x3  }
0x84: {  	s0 =	rddreg [dreg:$0x1a];
	v4 =	vperm.xlane v4, v3  }
0x85: {  	[tilespmem:s0], [sflag:$0x1] =	stream.indirect_vreg.gather [hbm4b:s1+s5], $0x80, v5, vm0, $0xb8;
	[tilespmem:$0x1E180] =	vst v63  }
0x86: {  	s16 =	rddreg [dreg:$0x1b];
	v4 =	vadd.s32 v2, v4  }
0x87: {  	[tilespmem:s16], [sflag:$0x1] =	stream.indirect_vreg.gather [hbm4b:s6+s5], $0x80, v5, vm0, $0xb8;
	[tilespmem:$0x1E180] =	vst v63  }
0x88: {  	s0 =	rddreg [dreg:$0x1c]  }
0x89: {  	[tilespmem:s0], [sflag:$0x1] =	stream.indirect_vreg.gather [hbm4b:s7+s5], $0x80, v5, vm0, $0xb8;
	[tilespmem:$0x1E180] =	vst v63  }
0x8a: {  	s16 =	rddreg [dreg:$0x1d]  }
0x8b: {  	[tilespmem:s16], [sflag:$0x1] =	stream.indirect_vreg.gather [hbm4b:s1+s5], $0x80, v4, vm0, $0xb8;
	[tilespmem:$0x1E180] =	vst v63  }
0x8c: {  	s0 =	rddreg [dreg:$0x1e]  }
0x8d: {  	[tilespmem:s0], [sflag:$0x1] =	stream.indirect_vreg.gather [hbm4b:s6+s5], $0x80, v4, vm0, $0xb8;
	[tilespmem:$0x1E180] =	vst v63  }
0x8e: {  	s16 =	rddreg [dreg:$0x1f]  }
0x8f: {  	[tilespmem:s16], [sflag:$0x1] =	stream.indirect_vreg.gather [hbm4b:s7+s5], $0x80, v4, vm0, $0xb8;
	[tilespmem:$0x1E180] =	vst v63  }
0x90: {  	v4 =	vld [tilespmem:$0x30];
	_ =	sdelay $0x4  }
0x91: {  	v5 =	vshrl.u32 v4, $0x3  }
0x92: {  	v5 =	vmul.u32 $0x30, v5  }
0x93: {  	v4 =	vand.u32 $0x7, v4  }
0x94: {  	v4 =	vor.u32 v4, v5  }
0x95: {  	v5 =	vperm.xlane v4, v1;
	_ =	sdelay $0x1  }
0x96: {  	v5 =	vadd.s32 v2, v5;
	_ =	sdelay $0x1  }
0x97: {  	s0 =	sld [smem:$0x7E2];
	_ =	sdelay $0x1  }
0x98: {  	s16 =	sld [smem:$0x7E3];
	v4 =	vperm.xlane v4, v3  }
0x99: {  	[tilespmem:s0], [sflag:$0x1] =	stream.indirect_vreg.gather [hbm4b:s1+s5], $0x80, v5, vm0, $0xb8;
	[tilespmem:$0x1E180] =	vst v63  }
0x9a: {  	v4 =	vadd.s32 v2, v4;
	s0 =	sld [smem:$0x7E4]  }
0x9b: {  	[tilespmem:s16], [sflag:$0x1] =	stream.indirect_vreg.gather [hbm4b:s6+s5], $0x80, v5, vm0, $0xb8;
	[tilespmem:$0x1E180] =	vst v63  }
0x9c: {  	s16 =	sld [smem:$0x7E5]  }
0x9d: {  	[tilespmem:s0], [sflag:$0x1] =	stream.indirect_vreg.gather [hbm4b:s7+s5], $0x80, v5, vm0, $0xb8;
	[tilespmem:$0x1E180] =	vst v63  }
0x9e: {  	s0 =	sld [smem:$0x7E6]  }
0x9f: {  	[tilespmem:s16], [sflag:$0x1] =	stream.indirect_vreg.gather [hbm4b:s1+s5], $0x80, v4, vm0, $0xb8;
	[tilespmem:$0x1E180] =	vst v63  }
0xa0: {  	s16 =	sld [smem:$0x7E7]  }
0xa1: {  	[tilespmem:s0], [sflag:$0x1] =	stream.indirect_vreg.gather [hbm4b:s6+s5], $0x80, v4, vm0, $0xb8;
	[tilespmem:$0x1E180] =	vst v63  }
0xa2: {  	_ = 	snop  }
0xa3: {  	[tilespmem:s16], [sflag:$0x1] =	stream.indirect_vreg.gather [hbm4b:s7+s5], $0x80, v4, vm0, $0xb8;
	[tilespmem:$0x1E180] =	vst v63  }
0xa4: {  	v4 =	vld [tilespmem:$0x80];
	_ =	sdelay $0x4  }
0xa5: {  	v5 =	vshrl.u32 v4, $0x3  }
0xa6: {  	v5 =	vmul.u32 $0x30, v5  }
0xa7: {  	v4 =	vand.u32 $0x7, v4  }
0xa8: {  	v4 =	vor.u32 v4, v5  }
0xa9: {  	v5 =	vperm.xlane v4, v1;
	_ =	sdelay $0x1  }
0xaa: {  	v5 =	vadd.s32 v2, v5;
	_ =	sdelay $0x3  }
0xab: {  	s0 =	sld [smem:$0x7E8];
	v4 =	vperm.xlane v4, v3  }
0xac: {  	[tilespmem:s15], [sflag:$0x2] =	stream.indirect_vreg.gather [hbm4b:s2+s5], $0x80, v5, vm0, $0xb8;
	[tilespmem:$0x1E180] =	vst v63  }
0xad: {  	s16 =	sld [smem:$0x7E9];
	v4 =	vadd.s32 v2, v4  }
0xae: {  	[tilespmem:s0], [sflag:$0x2] =	stream.indirect_vreg.gather [hbm4b:s8+s5], $0x80, v5, vm0, $0xb8;
	[tilespmem:$0x1E180] =	vst v63  }
0xaf: {  	s0 =	sld [smem:$0x7EA]  }
0xb0: {  	[tilespmem:s16], [sflag:$0x2] =	stream.indirect_vreg.gather [hbm4b:s9+s5], $0x80, v5, vm0, $0xb8;
	[tilespmem:$0x1E180] =	vst v63  }
0xb1: {  	s16 =	sld [smem:$0x7EB]  }
0xb2: {  	[tilespmem:s0], [sflag:$0x2] =	stream.indirect_vreg.gather [hbm4b:s2+s5], $0x80, v4, vm0, $0xb8;
	[tilespmem:$0x1E180] =	vst v63  }
0xb3: {  	s0 =	sld [smem:$0x7EC]  }
0xb4: {  	[tilespmem:s16], [sflag:$0x2] =	stream.indirect_vreg.gather [hbm4b:s8+s5], $0x80, v4, vm0, $0xb8;
	[tilespmem:$0x1E180] =	vst v63  }
0xb5: {  	_ = 	snop  }
0xb6: {  	[tilespmem:s0], [sflag:$0x2] =	stream.indirect_vreg.gather [hbm4b:s9+s5], $0x80, v4, vm0, $0xb8;
	[tilespmem:$0x1E180] =	vst v63  }
0xb7: {  	v4 =	vld [tilespmem:$0x90];
	_ =	sdelay $0x4  }
0xb8: {  	v5 =	vshrl.u32 v4, $0x3  }
0xb9: {  	v5 =	vmul.u32 $0x30, v5  }
0xba: {  	v4 =	vand.u32 $0x7, v4  }
0xbb: {  	v4 =	vor.u32 v4, v5  }
0xbc: {  	v5 =	vperm.xlane v4, v1;
	_ =	sdelay $0x1  }
0xbd: {  	v5 =	vadd.s32 v2, v5;
	_ =	sdelay $0x1  }
0xbe: {  	s0 =	sld [smem:$0x7ED];
	_ =	sdelay $0x1  }
0xbf: {  	s16 =	sld [smem:$0x7EE];
	v4 =	vperm.xlane v4, v3  }
0xc0: {  	[tilespmem:s0], [sflag:$0x2] =	stream.indirect_vreg.gather [hbm4b:s2+s5], $0x80, v5, vm0, $0xb8;
	[tilespmem:$0x1E180] =	vst v63  }
0xc1: {  	v4 =	vadd.s32 v2, v4;
	s0 =	sld [smem:$0x7EF]  }
0xc2: {  	[tilespmem:s16], [sflag:$0x2] =	stream.indirect_vreg.gather [hbm4b:s8+s5], $0x80, v5, vm0, $0xb8;
	[tilespmem:$0x1E180] =	vst v63  }
0xc3: {  	s16 =	sld [smem:$0x7F0]  }
0xc4: {  	[tilespmem:s0], [sflag:$0x2] =	stream.indirect_vreg.gather [hbm4b:s9+s5], $0x80, v5, vm0, $0xb8;
	[tilespmem:$0x1E180] =	vst v63  }
0xc5: {  	s0 =	sld [smem:$0x7F1]  }
0xc6: {  	[tilespmem:s16], [sflag:$0x2] =	stream.indirect_vreg.gather [hbm4b:s2+s5], $0x80, v4, vm0, $0xb8;
	[tilespmem:$0x1E180] =	vst v63  }
0xc7: {  	s16 =	sld [smem:$0x7F2]  }
0xc8: {  	[tilespmem:s0], [sflag:$0x2] =	stream.indirect_vreg.gather [hbm4b:s8+s5], $0x80, v4, vm0, $0xb8;
	[tilespmem:$0x1E180] =	vst v63  }
0xc9: {  	_ = 	snop  }
0xca: {  	[tilespmem:s16], [sflag:$0x2] =	stream.indirect_vreg.gather [hbm4b:s9+s5], $0x80, v4, vm0, $0xb8;
	[tilespmem:$0x1E180] =	vst v63  }
0xcb: {  	v4 =	vld [tilespmem:$0xA0];
	_ =	sdelay $0x4  }
0xcc: {  	v5 =	vshrl.u32 v4, $0x3  }
0xcd: {  	v5 =	vmul.u32 $0x30, v5  }
0xce: {  	v4 =	vand.u32 $0x7, v4  }
0xcf: {  	v4 =	vor.u32 v4, v5  }
0xd0: {  	v5 =	vperm.xlane v4, v1;
	_ =	sdelay $0x1  }
0xd1: {  	v5 =	vadd.s32 v2, v5;
	_ =	sdelay $0x1  }
0xd2: {  	s0 =	sld [smem:$0x7F3];
	_ =	sdelay $0x1  }
0xd3: {  	s16 =	sld [smem:$0x7F4];
	v4 =	vperm.xlane v4, v3  }
0xd4: {  	[tilespmem:s0], [sflag:$0x2] =	stream.indirect_vreg.gather [hbm4b:s2+s5], $0x80, v5, vm0, $0xb8;
	[tilespmem:$0x1E180] =	vst v63  }
0xd5: {  	v4 =	vadd.s32 v2, v4;
	s0 =	sld [smem:$0x7F5]  }
0xd6: {  	[tilespmem:s16], [sflag:$0x2] =	stream.indirect_vreg.gather [hbm4b:s8+s5], $0x80, v5, vm0, $0xb8;
	[tilespmem:$0x1E180] =	vst v63  }
0xd7: {  	s16 =	sld [smem:$0x7F6]  }
0xd8: {  	[tilespmem:s0], [sflag:$0x2] =	stream.indirect_vreg.gather [hbm4b:s9+s5], $0x80, v5, vm0, $0xb8;
	[tilespmem:$0x1E180] =	vst v63  }
0xd9: {  	s0 =	sld [smem:$0x7F7]  }
0xda: {  	[tilespmem:s16], [sflag:$0x2] =	stream.indirect_vreg.gather [hbm4b:s2+s5], $0x80, v4, vm0, $0xb8;
	[tilespmem:$0x1E180] =	vst v63  }
0xdb: {  	s16 =	sld [smem:$0x7F8]  }
0xdc: {  	[tilespmem:s0], [sflag:$0x2] =	stream.indirect_vreg.gather [hbm4b:s8+s5], $0x80, v4, vm0, $0xb8;
	[tilespmem:$0x1E180] =	vst v63  }
0xdd: {  	_ = 	snop  }
0xde: {  	[tilespmem:s16], [sflag:$0x2] =	stream.indirect_vreg.gather [hbm4b:s9+s5], $0x80, v4, vm0, $0xb8;
	[tilespmem:$0x1E180] =	vst v63  }
0xdf: {  	v4 =	vld [tilespmem:$0xB0];
	_ =	sdelay $0x4  }
0xe0: {  	v5 =	vshrl.u32 v4, $0x3  }
0xe1: {  	v5 =	vmul.u32 $0x30, v5  }
0xe2: {  	v4 =	vand.u32 $0x7, v4  }
0xe3: {  	v4 =	vor.u32 v4, v5  }
0xe4: {  	v5 =	vperm.xlane v4, v1;
	_ =	sdelay $0x1  }
0xe5: {  	v5 =	vadd.s32 v2, v5;
	_ =	sdelay $0x1  }
0xe6: {  	s0 =	sld [smem:$0x7F9];
	_ =	sdelay $0x1  }
0xe7: {  	s16 =	sld [smem:$0x7FA];
	v4 =	vperm.xlane v4, v3  }
0xe8: {  	[tilespmem:s0], [sflag:$0x2] =	stream.indirect_vreg.gather [hbm4b:s2+s5], $0x80, v5, vm0, $0xb8;
	[tilespmem:$0x1E180] =	vst v63  }
0xe9: {  	v4 =	vadd.s32 v2, v4;
	s0 =	sld [smem:$0x7FB]  }
0xea: {  	[tilespmem:s16], [sflag:$0x2] =	stream.indirect_vreg.gather [hbm4b:s8+s5], $0x80, v5, vm0, $0xb8;
	[tilespmem:$0x1E180] =	vst v63  }
0xeb: {  	s16 =	sld [smem:$0x7FC]  }
0xec: {  	[tilespmem:s0], [sflag:$0x2] =	stream.indirect_vreg.gather [hbm4b:s9+s5], $0x80, v5, vm0, $0xb8;
	[tilespmem:$0x1E180] =	vst v63  }
0xed: {  	s0 =	sld [smem:$0x7FD]  }
0xee: {  	[tilespmem:s16], [sflag:$0x2] =	stream.indirect_vreg.gather [hbm4b:s2+s5], $0x80, v4, vm0, $0xb8;
	[tilespmem:$0x1E180] =	vst v63  }
0xef: {  	_ = 	snop  }
0xf0: {  	[tilespmem:s0], [sflag:$0x2] =	stream.indirect_vreg.gather [hbm4b:s8+s5], $0x80, v4, vm0, $0xb8;
	[tilespmem:$0x1E180] =	vst v63  }
0xf1: {  	s16 =	simm.s32 $0x17980  }
0xf2: {  	[tilespmem:s16], [sflag:$0x2] =	stream.indirect_vreg.gather [hbm4b:s9+s5], $0x80, v4, vm0, $0xb8;
	[tilespmem:$0x1E180] =	vst v63  }
0xf3: {  	v4 =	vld [tilespmem:$0x100];
	_ =	sdelay $0x4  }
0xf4: {  	v5 =	vshrl.u32 v4, $0x3  }
0xf5: {  	v5 =	vmul.u32 $0x30, v5  }
0xf6: {  	v4 =	vand.u32 $0x7, v4  }
0xf7: {  	v4 =	vor.u32 v4, v5  }
0xf8: {  	v5 =	vperm.xlane v4, v1;
	_ =	sdelay $0x1  }
0xf9: {  	v5 =	vadd.s32 v2, v5;
	_ =	sdelay $0x3  }
0xfa: {  	v4 =	vperm.xlane v4, v3  }
0xfb: {  	[tilespmem:s17], [sflag:$0x3] =	stream.indirect_vreg.gather [hbm4b:s3+s5], $0x80, v5, vm0, $0xb8;
	[tilespmem:$0x1E180] =	vst v63  }
0xfc: {  	v4 =	vadd.s32 v2, v4  }
0xfd: {  	[tilespmem:s18], [sflag:$0x3] =	stream.indirect_vreg.gather [hbm4b:s10+s5], $0x80, v5, vm0, $0xb8;
	[tilespmem:$0x1E180] =	vst v63  }
0xfe: {  	_ = 	snop  }
0xff: {  	[tilespmem:s19], [sflag:$0x3] =	stream.indirect_vreg.gather [hbm4b:s11+s5], $0x80, v5, vm0, $0xb8;
	[tilespmem:$0x1E180] =	vst v63  }
0x100: {  	_ = 	snop  }
0x101: {  	[tilespmem:s20], [sflag:$0x3] =	stream.indirect_vreg.gather [hbm4b:s3+s5], $0x80, v4, vm0, $0xb8;
	[tilespmem:$0x1E180] =	vst v63  }
0x102: {  	_ = 	snop  }
0x103: {  	[tilespmem:s21], [sflag:$0x3] =	stream.indirect_vreg.gather [hbm4b:s10+s5], $0x80, v4, vm0, $0xb8;
	[tilespmem:$0x1E180] =	vst v63  }
0x104: {  	_ = 	snop  }
0x105: {  	[tilespmem:s22], [sflag:$0x3] =	stream.indirect_vreg.gather [hbm4b:s11+s5], $0x80, v4, vm0, $0xb8;
	[tilespmem:$0x1E180] =	vst v63  }
0x106: {  	v4 =	vld [tilespmem:$0x110];
	_ =	sdelay $0x4  }
0x107: {  	v5 =	vshrl.u32 v4, $0x3  }
0x108: {  	v5 =	vmul.u32 $0x30, v5  }
0x109: {  	v4 =	vand.u32 $0x7, v4  }
0x10a: {  	v4 =	vor.u32 v4, v5  }
0x10b: {  	v5 =	vperm.xlane v4, v1;
	_ =	sdelay $0x1  }
0x10c: {  	v5 =	vadd.s32 v2, v5;
	_ =	sdelay $0x3  }
0x10d: {  	v4 =	vperm.xlane v4, v3  }
0x10e: {  	[tilespmem:s23], [sflag:$0x3] =	stream.indirect_vreg.gather [hbm4b:s3+s5], $0x80, v5, vm0, $0xb8;
	[tilespmem:$0x1E180] =	vst v63  }
0x10f: {  	v4 =	vadd.s32 v2, v4  }
0x110: {  	[tilespmem:s24], [sflag:$0x3] =	stream.indirect_vreg.gather [hbm4b:s10+s5], $0x80, v5, vm0, $0xb8;
	[tilespmem:$0x1E180] =	vst v63  }
0x111: {  	_ = 	snop  }
0x112: {  	[tilespmem:s25], [sflag:$0x3] =	stream.indirect_vreg.gather [hbm4b:s11+s5], $0x80, v5, vm0, $0xb8;
	[tilespmem:$0x1E180] =	vst v63  }
0x113: {  	_ = 	snop  }
0x114: {  	[tilespmem:s26], [sflag:$0x3] =	stream.indirect_vreg.gather [hbm4b:s3+s5], $0x80, v4, vm0, $0xb8;
	[tilespmem:$0x1E180] =	vst v63  }
0x115: {  	_ = 	snop  }
0x116: {  	[tilespmem:s28], [sflag:$0x3] =	stream.indirect_vreg.gather [hbm4b:s10+s5], $0x80, v4, vm0, $0xb8;
	[tilespmem:$0x1E180] =	vst v63  }
0x117: {  	_ = 	snop  }
0x118: {  	[tilespmem:s29], [sflag:$0x3] =	stream.indirect_vreg.gather [hbm4b:s11+s5], $0x80, v4, vm0, $0xb8;
	[tilespmem:$0x1E180] =	vst v63  }
0x119: {  	_ =	swait.ge [sflag:s30], $0xC000  }
0x11a: {  	[sflag:s30] =	ssyncset.done $0x0  }
0x11b: {  	s16 =	rddreg [dreg:$0xa];
	[sflag:s30] =	ssyncadd.s32 $0xFFFF4000  }
0x11c: {  	[hbm4b:s16+s5] =	stream.linear.scatter [tilespmem:s14], [sflag:$0x4], $0xC000, $0x38;
	[tilespmem:$0x1E180] =	vst v63  }
0x11d: {  	_ =	swait.ge [sflag:s13], $0xC000  }
0x11e: {  	[sflag:s13] =	ssyncset.done $0x0  }
0x11f: {  	[sflag:s13] =	ssyncadd.s32 $0xFFFF4000  }
0x120: {  	_ =	swait.ge [sflag:s31], $0xC000  }
0x121: {  	[sflag:s31] =	ssyncset.done $0x0  }
0x122: {  	s16 =	rddreg [dreg:$0xb];
	[sflag:s31] =	ssyncadd.s32 $0xFFFF4000  }
0x123: {  	[hbm4b:s16+s5] =	stream.linear.scatter [tilespmem:s15], [sflag:$0x4], $0xC000, $0x38;
	[tilespmem:$0x1E180] =	vst v63  }
0x124: {  	_ =	swait.ge [sflag:s13], $0xC000  }
0x125: {  	[sflag:s13] =	ssyncset.done $0x0  }
0x126: {  	[sflag:s13] =	ssyncadd.s32 $0xFFFF4000  }
0x127: {  	_ =	swait.ge [sflag:s4], $0x6000  }
0x128: {  	p0 =	sne.s32 s12, $0x1;
	[sflag:s4] =	ssyncset.done $0x0  }
.Ltmp0:
0x129: {  	s16 =	rddreg [dreg:$0xc];
	[sflag:s4] =	ssyncadd.s32 $0xFFFFA000;
	(pc) =	sbr.rel @p0 .LBB2_1-.Ltmp0, $4  }
0x12a: {  	[hbm4b:s16+s5] =	stream.linear.scatter [tilespmem:s17], [sflag:$0x4], $0x6000, $0x38;
	[tilespmem:$0x1E180] =	vst v63  }
0x12b: {  	_ =	swait.ge [sflag:s13], $0x6000  }
0x12c: {  	[sflag:s13] =	ssyncset.done $0x0  }
0x12d: {  	s12 =	sadd.s32 $0xFFFFFFFF, s12;
	[sflag:s13] =	ssyncadd.s32 $0xFFFFA000  }
0x12e: {  	_ =	sfence.sel $0x180000  }
0x12f: {  	[bflag:$0x0] =	sbarrier.arrive $0xFFFF  }
0x130: {  	_ =	strace $0x90000047  }
0x131: {  	s0 =	stileid.u32;
	[bflag:$0x2] =	sbarrier.arrive $0xFFFF  }
0x132: {  	p0 =	sne.s32 s0, $0x0;
	s0 =	rddreg [dreg:$0x6]  }
0x133: {  	s0 =	sadd.s32 @!p0 $0x100000, s0  }
0x134: {  	[sflag:s0] =	ssyncadd.tile.s32 @!p0 $0x1;
	_ =	shalt  }
.Lfunc_end2:
_tile_overlayer_lowered:
.L_overlay_start_2:
0x135: {  	(tag) =	ssettag $0x2  }
0x136: {  	s0 =	rddreg [dreg:$0x0];
	s2 =	stileid.u32  }
0x137: {  	s1 =	rddreg [dreg:$0x1];
	p0 =	sne.s32 s2, $0x0  }
0x138: {  	s3 =	rddreg [dreg:$0x2];
	[bflag:$0x3] =	sbarrier.arrive $0xFFFF;
	s2 =	simm.s32 @!p0 $0x1C04  }
0x139: {  	[timem:s3], [sflag:s2] =	dma.local @!p0 [hbm:s0], s1  }
0x13a: {  	s0 =	simm.s32 @!p0 $0x4  }
0x13b: {  	_ =	swait.ge @!p0 [sflag:s0], s1  }
0x13c: {  	s1 =	ssub.s32 @!p0 $0x0, s1;
	[sflag:s0] =	ssyncset.done @!p0 $0x0  }
0x13d: {  	[sflag:s0] =	ssyncadd.s32 @!p0 s1  }
0x13e: {  	[bflag:$0x3] =	sbarrier.arrive $0xFFFF  }
0x13f: {  	_ =	shalt  }

</sc_bundles>
